<compile_context>
chip_gen: v7x
topology: tpu7x:2x2x1
jax: 0.10.2.dev20260603
libtpu: 0.0.44.dev20260713+nightly
codegen_flags: <defaults>
</compile_context>

<pallas_src>
import dataclasses
import functools

import jax
import jax.numpy as jnp
from jax import lax
from jax.experimental import pallas as pl
from jax.experimental.pallas import tpu as pltpu
from jax.experimental.pallas import tpu_sc as plsc

EMBED = 32
NUM_CORES = 2
NUM_SUBCORES = 16
NUM_WORKERS = NUM_CORES * NUM_SUBCORES
LANES = 16
IDX_CHUNK = 128


@functools.partial(jax.jit, static_argnames=("batch",))
def _gmf_sc(user2d, item2d, wb, user_table, item_table, batch):
    b_per_w = batch // NUM_WORKERS
    n_chunk = b_per_w // IDX_CHUNK
    mesh = plsc.VectorSubcoreMesh(core_axis_name="c", subcore_axis_name="s")

    cp = dataclasses.replace(
        pltpu.CompilerParams(),
        use_tc_tiling_on_sc=False,
        needs_layout_passes=False,
    )

    @functools.partial(
        pl.kernel,
        mesh=mesh,
        out_type=jax.ShapeDtypeStruct((batch,), jnp.float32),
        scratch_types=[
            pltpu.VMEM((n_chunk, IDX_CHUNK), jnp.int32),
            pltpu.VMEM((n_chunk, IDX_CHUNK), jnp.int32),
            pltpu.VMEM((b_per_w, EMBED), jnp.float32),
            pltpu.VMEM((b_per_w, EMBED), jnp.float32),
            pltpu.VMEM((64,), jnp.float32),
            pltpu.VMEM((b_per_w,), jnp.float32),
            pltpu.SemaphoreType.DMA,
            pltpu.SemaphoreType.DMA,
        ],
        compiler_params=cp,
    )
    def k(user_hbm, item_hbm, wb_hbm, utab_hbm, itab_hbm, out_hbm,
          uidx_v, iidx_v, urows_v, irows_v, wb_v, out_v, sem_u, sem_i):
        wid = lax.axis_index("s") * NUM_CORES + lax.axis_index("c")
        base = wid * b_per_w

        pltpu.sync_copy(user_hbm.at[pl.ds(wid * n_chunk, n_chunk)], uidx_v)
        pltpu.sync_copy(item_hbm.at[pl.ds(wid * n_chunk, n_chunk)], iidx_v)
        pltpu.sync_copy(wb_hbm, wb_v)

        copies = []
        for c in range(n_chunk):
            copies.append(pltpu.async_copy(
                utab_hbm.at[uidx_v.at[c]],
                urows_v.at[pl.ds(c * IDX_CHUNK, IDX_CHUNK)], sem_u))
            copies.append(pltpu.async_copy(
                itab_hbm.at[iidx_v.at[c]],
                irows_v.at[pl.ds(c * IDX_CHUNK, IDX_CHUNK)], sem_i))
        for cp_ in copies:
            cp_.wait()

        w_splat = [
            plsc.load_gather(wb_v, [jnp.full((LANES,), LANES + d, jnp.int32)])
            for d in range(EMBED)
        ]
        b_splat = plsc.load_gather(
            wb_v, [jnp.full((LANES,), LANES + EMBED, jnp.int32)])
        lane_iota = lax.iota(jnp.int32, LANES)

        @pl.loop(0, b_per_w, step=LANES)
        def _(r0):
            row_idx = lane_iota + r0
            acc = b_splat
            for d in range(EMBED):
                d_idx = jnp.full((LANES,), d, jnp.int32)
                ug = plsc.load_gather(urows_v, [row_idx, d_idx])
                ig = plsc.load_gather(irows_v, [row_idx, d_idx])
                acc = acc + ug * ig * w_splat[d]
            out_v[pl.ds(r0, LANES)] = acc

        pltpu.sync_copy(out_v, out_hbm.at[pl.ds(base, b_per_w)])

    return k(user2d, item2d, wb, user_table, item_table)


def kernel(user, item, user_table, item_table, W, b):
    batch = user.shape[0]
    user2d = user.astype(jnp.int32).reshape(-1, IDX_CHUNK)
    item2d = item.astype(jnp.int32).reshape(-1, IDX_CHUNK)
    wb = jnp.concatenate(
        [jnp.zeros((LANES,), jnp.float32),
         W.reshape(-1).astype(jnp.float32), b.astype(jnp.float32),
         jnp.zeros((64 - LANES - EMBED - 1,), jnp.float32)])
    return _gmf_sc(user2d, item2d, wb, user_table, item_table, batch)

# --- scband reference (transcript-rebuilt; emitter-appended) ---
"""Pipeline reference for scband-gmf-34007551049756 (READ-ONLY COPY).

The authoritative reference and input builder live on the scoring server;
editing this copy changes nothing except your own understanding.
"""

import jax, jax.numpy as jnp
import numpy as np

NUM_USERS = 1000000
NUM_ITEMS = 1000000
EMBED_DIM = 32
BATCH = 16384

def setup_inputs(seed: int = 0) -> dict:
    key = jax.random.key(seed)
    k1, k2, k3, k4, k5, k6 = jax.random.split(key, 6)
    user = jax.random.randint(k1, (BATCH,), 0, NUM_USERS, dtype=jnp.int64) if jax.config.jax_enable_x64 else jax.random.randint(k1, (BATCH,), 0, NUM_USERS, dtype=jnp.int32)
    item = jax.random.randint(k2, (BATCH,), 0, NUM_ITEMS, dtype=jnp.int32)
    user_table = jax.random.normal(k3, (NUM_USERS, EMBED_DIM), dtype=jnp.float32)
    item_table = jax.random.normal(k4, (NUM_ITEMS, EMBED_DIM), dtype=jnp.float32)
    W = jax.random.normal(k5, (EMBED_DIM, 1), dtype=jnp.float32) * (1.0 / np.sqrt(EMBED_DIM))
    b = jax.random.normal(k6, (1,), dtype=jnp.float32) * 0.01
    return {"user": user, "item": item, "user_table": user_table, "item_table": item_table, "W": W, "b": b}

def reference(user, item, user_table, item_table, W, b):
    user_embed = jnp.take(user_table, user, axis=0)
    item_embed = jnp.take(item_table, item, axis=0)
    x = user_embed * item_embed
    out = x @ W + b
    return out.reshape(-1)

if __name__ == "__main__":
    import jax
    _d = setup_inputs()
    print(jax.jit(kernel)(*tuple(_d.values())))

</pallas_src>

<mosaic_0001>
#map = affine_map<(d0, d1) -> (0, 0)>
#map1 = affine_map<(d0, d1) -> (0)>
module attributes {stable_mosaic.version = 14 : i64} {
  func.func @k(%arg0: i32, %arg1: i32, %arg2: memref<128x128xi32, #tpu.memory_space<hbm>>, %arg3: memref<128x128xi32, #tpu.memory_space<hbm>>, %arg4: memref<64xf32, #tpu.memory_space<hbm>>, %arg5: memref<1000000x32xf32, #tpu.memory_space<hbm>>, %arg6: memref<1000000x32xf32, #tpu.memory_space<hbm>>, %arg7: memref<16384xf32, #tpu.memory_space<hbm>>, %arg8: memref<4x128xi32, #tpu.memory_space<vmem>>, %arg9: memref<4x128xi32, #tpu.memory_space<vmem>>, %arg10: memref<512x32xf32, #tpu.memory_space<vmem>>, %arg11: memref<512x32xf32, #tpu.memory_space<vmem>>, %arg12: memref<64xf32, #tpu.memory_space<vmem>>, %arg13: memref<512xf32, #tpu.memory_space<vmem>>, %arg14: memref<!tpu.dma_semaphore, #tpu.memory_space<semaphore_mem>>, %arg15: memref<!tpu.dma_semaphore, #tpu.memory_space<semaphore_mem>>) attributes {dimension_semantics = [#tpu.dimension_semantics<core_parallel>, #tpu.dimension_semantics<subcore_parallel>], iteration_bounds = array<i64: 2, 16>, scalar_prefetch = 0 : i64, scratch_operands = 8 : i64, tpu.core_type = #tpu.core_type<sc_vector_subcore>, window_params = [{transform_indices = #map}, {transform_indices = #map}, {transform_indices = #map1}, {transform_indices = #map}, {transform_indices = #map}, {transform_indices = #map1}]} {
    %mul3A = arith.constant 2 : i32
    %mul3A_0 = arith.muli %arg1, %mul3A : i32
    %add3A = arith.addi %mul3A_0, %arg0 : i32
    %mul3A_1 = arith.constant 512 : i32
    %mul3A_2 = arith.muli %add3A, %mul3A_1 : i32
    %mul3A_3 = arith.constant 4 : i32
    %mul3A_4 = arith.muli %add3A, %mul3A_3 : i32
    "tpu.region"() ({
      %run_scoped3A = tpu.sem_alloc : memref<!tpu.dma_semaphore, #tpu.memory_space<semaphore_mem>>
      %dma_start3A_266 = arith.constant 0 : i32
      %dma_start3A_267 = tpu.memref_slice %arg2[%mul3A_4, %dma_start3A_266] : memref<128x128xi32, #tpu.memory_space<hbm>> -> memref<4x128xi32, #tpu.memory_space<hbm>>
      %dma_start3A_268 = arith.constant 0 : i32
      %dma_start3A_269 = tpu.memref_slice %arg2[%mul3A_4, %dma_start3A_268] : memref<128x128xi32, #tpu.memory_space<hbm>> -> memref<4x128xi32, #tpu.memory_space<hbm>>
      tpu.enqueue_dma source(%dma_start3A_269 : memref<4x128xi32, #tpu.memory_space<hbm>>) target(%arg8 : memref<4x128xi32, #tpu.memory_space<vmem>>) target_semaphore(%run_scoped3A : memref<!tpu.dma_semaphore, #tpu.memory_space<semaphore_mem>>)
      %dma_wait3A_270 = arith.constant 0 : i32
      %dma_wait3A_271 = tpu.memref_slice %arg2[%mul3A_4, %dma_wait3A_270] : memref<128x128xi32, #tpu.memory_space<hbm>> -> memref<4x128xi32, #tpu.memory_space<hbm>>
      %dma_wait3A_272 = arith.constant 0 : i32
      %dma_wait3A_273 = tpu.memref_slice %arg2[%mul3A_4, %dma_wait3A_272] : memref<128x128xi32, #tpu.memory_space<hbm>> -> memref<4x128xi32, #tpu.memory_space<hbm>>
      tpu.wait_dma2 semaphore(%run_scoped3A : memref<!tpu.dma_semaphore, #tpu.memory_space<semaphore_mem>>) src(%dma_wait3A_273 : memref<4x128xi32, #tpu.memory_space<hbm>>) dst(%arg8 : memref<4x128xi32, #tpu.memory_space<vmem>>)
      tpu.yield
    }) : () -> ()
    %mul3A_5 = arith.constant 4 : i32
    %mul3A_6 = arith.muli %add3A, %mul3A_5 : i32
    "tpu.region"() ({
      %run_scoped3A = tpu.sem_alloc : memref<!tpu.dma_semaphore, #tpu.memory_space<semaphore_mem>>
      %dma_start3A_266 = arith.constant 0 : i32
      %dma_start3A_267 = tpu.memref_slice %arg3[%mul3A_6, %dma_start3A_266] : memref<128x128xi32, #tpu.memory_space<hbm>> -> memref<4x128xi32, #tpu.memory_space<hbm>>
      %dma_start3A_268 = arith.constant 0 : i32
      %dma_start3A_269 = tpu.memref_slice %arg3[%mul3A_6, %dma_start3A_268] : memref<128x128xi32, #tpu.memory_space<hbm>> -> memref<4x128xi32, #tpu.memory_space<hbm>>
      tpu.enqueue_dma source(%dma_start3A_269 : memref<4x128xi32, #tpu.memory_space<hbm>>) target(%arg9 : memref<4x128xi32, #tpu.memory_space<vmem>>) target_semaphore(%run_scoped3A : memref<!tpu.dma_semaphore, #tpu.memory_space<semaphore_mem>>)
      %dma_wait3A_270 = arith.constant 0 : i32
      %dma_wait3A_271 = tpu.memref_slice %arg3[%mul3A_6, %dma_wait3A_270] : memref<128x128xi32, #tpu.memory_space<hbm>> -> memref<4x128xi32, #tpu.memory_space<hbm>>
      %dma_wait3A_272 = arith.constant 0 : i32
      %dma_wait3A_273 = tpu.memref_slice %arg3[%mul3A_6, %dma_wait3A_272] : memref<128x128xi32, #tpu.memory_space<hbm>> -> memref<4x128xi32, #tpu.memory_space<hbm>>
      tpu.wait_dma2 semaphore(%run_scoped3A : memref<!tpu.dma_semaphore, #tpu.memory_space<semaphore_mem>>) src(%dma_wait3A_273 : memref<4x128xi32, #tpu.memory_space<hbm>>) dst(%arg9 : memref<4x128xi32, #tpu.memory_space<vmem>>)
      tpu.yield
    }) : () -> ()
    "tpu.region"() ({
      %run_scoped3A = tpu.sem_alloc : memref<!tpu.dma_semaphore, #tpu.memory_space<semaphore_mem>>
      tpu.enqueue_dma source(%arg4 : memref<64xf32, #tpu.memory_space<hbm>>) target(%arg12 : memref<64xf32, #tpu.memory_space<vmem>>) target_semaphore(%run_scoped3A : memref<!tpu.dma_semaphore, #tpu.memory_space<semaphore_mem>>)
      tpu.wait_dma2 semaphore(%run_scoped3A : memref<!tpu.dma_semaphore, #tpu.memory_space<semaphore_mem>>) src(%arg4 : memref<64xf32, #tpu.memory_space<hbm>>) dst(%arg12 : memref<64xf32, #tpu.memory_space<vmem>>)
      tpu.yield
    }) : () -> ()
    %dma_start3A = arith.constant 0 : i32
    %dma_start3A_7 = arith.constant 0 : i32
    %dma_start3A_8 = arith.constant 0 : i32
    %dma_start3A_9 = tpu.memref_slice %arg10[%dma_start3A_7, %dma_start3A_8] : memref<512x32xf32, #tpu.memory_space<vmem>> -> memref<128x32xf32, #tpu.memory_space<vmem>>
    %dma_start3A_10 = arith.constant 0 : i32
    %dma_start3A_11 = tpu.memref_slice %arg8[%dma_start3A, %dma_start3A_10] : memref<4x128xi32, #tpu.memory_space<vmem>> -> memref<1x128xi32, #tpu.memory_space<vmem>>
    %dma_start3A_12 = tpu.memref_squeeze %dma_start3A_11 : memref<1x128xi32, #tpu.memory_space<vmem>> -> memref<128xi32, #tpu.memory_space<vmem>>
    %dma_start3A_13 = arith.constant 0 : i32
    %dma_start3A_14 = arith.constant 0 : i32
    %dma_start3A_15 = tpu.memref_slice %arg5[%dma_start3A_13, %dma_start3A_14] : memref<1000000x32xf32, #tpu.memory_space<hbm>> -> memref<1000000x32xf32, #tpu.memory_space<hbm>>
    tpu.enqueue_indirect_dma source(%dma_start3A_15 : memref<1000000x32xf32, #tpu.memory_space<hbm>>) target(%dma_start3A_9 : memref<128x32xf32, #tpu.memory_space<vmem>>) offsets(%dma_start3A_12 : memref<128xi32, #tpu.memory_space<vmem>>) semaphore(%arg14 : memref<!tpu.dma_semaphore, #tpu.memory_space<semaphore_mem>>)
    %dma_start3A_16 = arith.constant 0 : i32
    %dma_start3A_17 = arith.constant 0 : i32
    %dma_start3A_18 = arith.constant 0 : i32
    %dma_start3A_19 = tpu.memref_slice %arg11[%dma_start3A_17, %dma_start3A_18] : memref<512x32xf32, #tpu.memory_space<vmem>> -> memref<128x32xf32, #tpu.memory_space<vmem>>
    %dma_start3A_20 = arith.constant 0 : i32
    %dma_start3A_21 = tpu.memref_slice %arg9[%dma_start3A_16, %dma_start3A_20] : memref<4x128xi32, #tpu.memory_space<vmem>> -> memref<1x128xi32, #tpu.memory_space<vmem>>
    %dma_start3A_22 = tpu.memref_squeeze %dma_start3A_21 : memref<1x128xi32, #tpu.memory_space<vmem>> -> memref<128xi32, #tpu.memory_space<vmem>>
    %dma_start3A_23 = arith.constant 0 : i32
    %dma_start3A_24 = arith.constant 0 : i32
    %dma_start3A_25 = tpu.memref_slice %arg6[%dma_start3A_23, %dma_start3A_24] : memref<1000000x32xf32, #tpu.memory_space<hbm>> -> memref<1000000x32xf32, #tpu.memory_space<hbm>>
    tpu.enqueue_indirect_dma source(%dma_start3A_25 : memref<1000000x32xf32, #tpu.memory_space<hbm>>) target(%dma_start3A_19 : memref<128x32xf32, #tpu.memory_space<vmem>>) offsets(%dma_start3A_22 : memref<128xi32, #tpu.memory_space<vmem>>) semaphore(%arg15 : memref<!tpu.dma_semaphore, #tpu.memory_space<semaphore_mem>>)
    %dma_start3A_26 = arith.constant 1 : i32
    %dma_start3A_27 = arith.constant 128 : i32
    %dma_start3A_28 = arith.constant 0 : i32
    %dma_start3A_29 = tpu.memref_slice %arg10[%dma_start3A_27, %dma_start3A_28] : memref<512x32xf32, #tpu.memory_space<vmem>> -> memref<128x32xf32, #tpu.memory_space<vmem>>
    %dma_start3A_30 = arith.constant 0 : i32
    %dma_start3A_31 = tpu.memref_slice %arg8[%dma_start3A_26, %dma_start3A_30] : memref<4x128xi32, #tpu.memory_space<vmem>> -> memref<1x128xi32, #tpu.memory_space<vmem>>
    %dma_start3A_32 = tpu.memref_squeeze %dma_start3A_31 : memref<1x128xi32, #tpu.memory_space<vmem>> -> memref<128xi32, #tpu.memory_space<vmem>>
    %dma_start3A_33 = arith.constant 0 : i32
    %dma_start3A_34 = arith.constant 0 : i32
    %dma_start3A_35 = tpu.memref_slice %arg5[%dma_start3A_33, %dma_start3A_34] : memref<1000000x32xf32, #tpu.memory_space<hbm>> -> memref<1000000x32xf32, #tpu.memory_space<hbm>>
    tpu.enqueue_indirect_dma source(%dma_start3A_35 : memref<1000000x32xf32, #tpu.memory_space<hbm>>) target(%dma_start3A_29 : memref<128x32xf32, #tpu.memory_space<vmem>>) offsets(%dma_start3A_32 : memref<128xi32, #tpu.memory_space<vmem>>) semaphore(%arg14 : memref<!tpu.dma_semaphore, #tpu.memory_space<semaphore_mem>>)
    %dma_start3A_36 = arith.constant 1 : i32
    %dma_start3A_37 = arith.constant 128 : i32
    %dma_start3A_38 = arith.constant 0 : i32
    %dma_start3A_39 = tpu.memref_slice %arg11[%dma_start3A_37, %dma_start3A_38] : memref<512x32xf32, #tpu.memory_space<vmem>> -> memref<128x32xf32, #tpu.memory_space<vmem>>
    %dma_start3A_40 = arith.constant 0 : i32
    %dma_start3A_41 = tpu.memref_slice %arg9[%dma_start3A_36, %dma_start3A_40] : memref<4x128xi32, #tpu.memory_space<vmem>> -> memref<1x128xi32, #tpu.memory_space<vmem>>
    %dma_start3A_42 = tpu.memref_squeeze %dma_start3A_41 : memref<1x128xi32, #tpu.memory_space<vmem>> -> memref<128xi32, #tpu.memory_space<vmem>>
    %dma_start3A_43 = arith.constant 0 : i32
    %dma_start3A_44 = arith.constant 0 : i32
    %dma_start3A_45 = tpu.memref_slice %arg6[%dma_start3A_43, %dma_start3A_44] : memref<1000000x32xf32, #tpu.memory_space<hbm>> -> memref<1000000x32xf32, #tpu.memory_space<hbm>>
    tpu.enqueue_indirect_dma source(%dma_start3A_45 : memref<1000000x32xf32, #tpu.memory_space<hbm>>) target(%dma_start3A_39 : memref<128x32xf32, #tpu.memory_space<vmem>>) offsets(%dma_start3A_42 : memref<128xi32, #tpu.memory_space<vmem>>) semaphore(%arg15 : memref<!tpu.dma_semaphore, #tpu.memory_space<semaphore_mem>>)
    %dma_start3A_46 = arith.constant 2 : i32
    %dma_start3A_47 = arith.constant 256 : i32
    %dma_start3A_48 = arith.constant 0 : i32
    %dma_start3A_49 = tpu.memref_slice %arg10[%dma_start3A_47, %dma_start3A_48] : memref<512x32xf32, #tpu.memory_space<vmem>> -> memref<128x32xf32, #tpu.memory_space<vmem>>
    %dma_start3A_50 = arith.constant 0 : i32
    %dma_start3A_51 = tpu.memref_slice %arg8[%dma_start3A_46, %dma_start3A_50] : memref<4x128xi32, #tpu.memory_space<vmem>> -> memref<1x128xi32, #tpu.memory_space<vmem>>
    %dma_start3A_52 = tpu.memref_squeeze %dma_start3A_51 : memref<1x128xi32, #tpu.memory_space<vmem>> -> memref<128xi32, #tpu.memory_space<vmem>>
    %dma_start3A_53 = arith.constant 0 : i32
    %dma_start3A_54 = arith.constant 0 : i32
    %dma_start3A_55 = tpu.memref_slice %arg5[%dma_start3A_53, %dma_start3A_54] : memref<1000000x32xf32, #tpu.memory_space<hbm>> -> memref<1000000x32xf32, #tpu.memory_space<hbm>>
    tpu.enqueue_indirect_dma source(%dma_start3A_55 : memref<1000000x32xf32, #tpu.memory_space<hbm>>) target(%dma_start3A_49 : memref<128x32xf32, #tpu.memory_space<vmem>>) offsets(%dma_start3A_52 : memref<128xi32, #tpu.memory_space<vmem>>) semaphore(%arg14 : memref<!tpu.dma_semaphore, #tpu.memory_space<semaphore_mem>>)
    %dma_start3A_56 = arith.constant 2 : i32
    %dma_start3A_57 = arith.constant 256 : i32
    %dma_start3A_58 = arith.constant 0 : i32
    %dma_start3A_59 = tpu.memref_slice %arg11[%dma_start3A_57, %dma_start3A_58] : memref<512x32xf32, #tpu.memory_space<vmem>> -> memref<128x32xf32, #tpu.memory_space<vmem>>
    %dma_start3A_60 = arith.constant 0 : i32
    %dma_start3A_61 = tpu.memref_slice %arg9[%dma_start3A_56, %dma_start3A_60] : memref<4x128xi32, #tpu.memory_space<vmem>> -> memref<1x128xi32, #tpu.memory_space<vmem>>
    %dma_start3A_62 = tpu.memref_squeeze %dma_start3A_61 : memref<1x128xi32, #tpu.memory_space<vmem>> -> memref<128xi32, #tpu.memory_space<vmem>>
    %dma_start3A_63 = arith.constant 0 : i32
    %dma_start3A_64 = arith.constant 0 : i32
    %dma_start3A_65 = tpu.memref_slice %arg6[%dma_start3A_63, %dma_start3A_64] : memref<1000000x32xf32, #tpu.memory_space<hbm>> -> memref<1000000x32xf32, #tpu.memory_space<hbm>>
    tpu.enqueue_indirect_dma source(%dma_start3A_65 : memref<1000000x32xf32, #tpu.memory_space<hbm>>) target(%dma_start3A_59 : memref<128x32xf32, #tpu.memory_space<vmem>>) offsets(%dma_start3A_62 : memref<128xi32, #tpu.memory_space<vmem>>) semaphore(%arg15 : memref<!tpu.dma_semaphore, #tpu.memory_space<semaphore_mem>>)
    %dma_start3A_66 = arith.constant 3 : i32
    %dma_start3A_67 = arith.constant 384 : i32
    %dma_start3A_68 = arith.constant 0 : i32
    %dma_start3A_69 = tpu.memref_slice %arg10[%dma_start3A_67, %dma_start3A_68] : memref<512x32xf32, #tpu.memory_space<vmem>> -> memref<128x32xf32, #tpu.memory_space<vmem>>
    %dma_start3A_70 = arith.constant 0 : i32
    %dma_start3A_71 = tpu.memref_slice %arg8[%dma_start3A_66, %dma_start3A_70] : memref<4x128xi32, #tpu.memory_space<vmem>> -> memref<1x128xi32, #tpu.memory_space<vmem>>
    %dma_start3A_72 = tpu.memref_squeeze %dma_start3A_71 : memref<1x128xi32, #tpu.memory_space<vmem>> -> memref<128xi32, #tpu.memory_space<vmem>>
    %dma_start3A_73 = arith.constant 0 : i32
    %dma_start3A_74 = arith.constant 0 : i32
    %dma_start3A_75 = tpu.memref_slice %arg5[%dma_start3A_73, %dma_start3A_74] : memref<1000000x32xf32, #tpu.memory_space<hbm>> -> memref<1000000x32xf32, #tpu.memory_space<hbm>>
    tpu.enqueue_indirect_dma source(%dma_start3A_75 : memref<1000000x32xf32, #tpu.memory_space<hbm>>) target(%dma_start3A_69 : memref<128x32xf32, #tpu.memory_space<vmem>>) offsets(%dma_start3A_72 : memref<128xi32, #tpu.memory_space<vmem>>) semaphore(%arg14 : memref<!tpu.dma_semaphore, #tpu.memory_space<semaphore_mem>>)
    %dma_start3A_76 = arith.constant 3 : i32
    %dma_start3A_77 = arith.constant 384 : i32
    %dma_start3A_78 = arith.constant 0 : i32
    %dma_start3A_79 = tpu.memref_slice %arg11[%dma_start3A_77, %dma_start3A_78] : memref<512x32xf32, #tpu.memory_space<vmem>> -> memref<128x32xf32, #tpu.memory_space<vmem>>
    %dma_start3A_80 = arith.constant 0 : i32
    %dma_start3A_81 = tpu.memref_slice %arg9[%dma_start3A_76, %dma_start3A_80] : memref<4x128xi32, #tpu.memory_space<vmem>> -> memref<1x128xi32, #tpu.memory_space<vmem>>
    %dma_start3A_82 = tpu.memref_squeeze %dma_start3A_81 : memref<1x128xi32, #tpu.memory_space<vmem>> -> memref<128xi32, #tpu.memory_space<vmem>>
    %dma_start3A_83 = arith.constant 0 : i32
    %dma_start3A_84 = arith.constant 0 : i32
    %dma_start3A_85 = tpu.memref_slice %arg6[%dma_start3A_83, %dma_start3A_84] : memref<1000000x32xf32, #tpu.memory_space<hbm>> -> memref<1000000x32xf32, #tpu.memory_space<hbm>>
    tpu.enqueue_indirect_dma source(%dma_start3A_85 : memref<1000000x32xf32, #tpu.memory_space<hbm>>) target(%dma_start3A_79 : memref<128x32xf32, #tpu.memory_space<vmem>>) offsets(%dma_start3A_82 : memref<128xi32, #tpu.memory_space<vmem>>) semaphore(%arg15 : memref<!tpu.dma_semaphore, #tpu.memory_space<semaphore_mem>>)
    %dma_wait3A = arith.constant 0 : i32
    %dma_wait3A_86 = arith.constant 0 : i32
    %dma_wait3A_87 = arith.constant 0 : i32
    %dma_wait3A_88 = tpu.memref_slice %arg10[%dma_wait3A_86, %dma_wait3A_87] : memref<512x32xf32, #tpu.memory_space<vmem>> -> memref<128x32xf32, #tpu.memory_space<vmem>>
    %dma_wait3A_89 = arith.constant 0 : i32
    %dma_wait3A_90 = tpu.memref_slice %arg8[%dma_wait3A, %dma_wait3A_89] : memref<4x128xi32, #tpu.memory_space<vmem>> -> memref<1x128xi32, #tpu.memory_space<vmem>>
    %dma_wait3A_91 = tpu.memref_squeeze %dma_wait3A_90 : memref<1x128xi32, #tpu.memory_space<vmem>> -> memref<128xi32, #tpu.memory_space<vmem>>
    %dma_wait3A_92 = arith.constant 0 : i32
    %dma_wait3A_93 = arith.constant 0 : i32
    %dma_wait3A_94 = tpu.memref_slice %arg5[%dma_wait3A_92, %dma_wait3A_93] : memref<1000000x32xf32, #tpu.memory_space<hbm>> -> memref<1000000x32xf32, #tpu.memory_space<hbm>>
    tpu.wait_indirect_dma semaphore(%arg14 : memref<!tpu.dma_semaphore, #tpu.memory_space<semaphore_mem>>) src(%dma_wait3A_94 : memref<1000000x32xf32, #tpu.memory_space<hbm>>) dst(%dma_wait3A_88 : memref<128x32xf32, #tpu.memory_space<vmem>>)
    %dma_wait3A_95 = arith.constant 0 : i32
    %dma_wait3A_96 = arith.constant 0 : i32
    %dma_wait3A_97 = arith.constant 0 : i32
    %dma_wait3A_98 = tpu.memref_slice %arg11[%dma_wait3A_96, %dma_wait3A_97] : memref<512x32xf32, #tpu.memory_space<vmem>> -> memref<128x32xf32, #tpu.memory_space<vmem>>
    %dma_wait3A_99 = arith.constant 0 : i32
    %dma_wait3A_100 = tpu.memref_slice %arg9[%dma_wait3A_95, %dma_wait3A_99] : memref<4x128xi32, #tpu.memory_space<vmem>> -> memref<1x128xi32, #tpu.memory_space<vmem>>
    %dma_wait3A_101 = tpu.memref_squeeze %dma_wait3A_100 : memref<1x128xi32, #tpu.memory_space<vmem>> -> memref<128xi32, #tpu.memory_space<vmem>>
    %dma_wait3A_102 = arith.constant 0 : i32
    %dma_wait3A_103 = arith.constant 0 : i32
    %dma_wait3A_104 = tpu.memref_slice %arg6[%dma_wait3A_102, %dma_wait3A_103] : memref<1000000x32xf32, #tpu.memory_space<hbm>> -> memref<1000000x32xf32, #tpu.memory_space<hbm>>
    tpu.wait_indirect_dma semaphore(%arg15 : memref<!tpu.dma_semaphore, #tpu.memory_space<semaphore_mem>>) src(%dma_wait3A_104 : memref<1000000x32xf32, #tpu.memory_space<hbm>>) dst(%dma_wait3A_98 : memref<128x32xf32, #tpu.memory_space<vmem>>)
    %dma_wait3A_105 = arith.constant 1 : i32
    %dma_wait3A_106 = arith.constant 128 : i32
    %dma_wait3A_107 = arith.constant 0 : i32
    %dma_wait3A_108 = tpu.memref_slice %arg10[%dma_wait3A_106, %dma_wait3A_107] : memref<512x32xf32, #tpu.memory_space<vmem>> -> memref<128x32xf32, #tpu.memory_space<vmem>>
    %dma_wait3A_109 = arith.constant 0 : i32
    %dma_wait3A_110 = tpu.memref_slice %arg8[%dma_wait3A_105, %dma_wait3A_109] : memref<4x128xi32, #tpu.memory_space<vmem>> -> memref<1x128xi32, #tpu.memory_space<vmem>>
    %dma_wait3A_111 = tpu.memref_squeeze %dma_wait3A_110 : memref<1x128xi32, #tpu.memory_space<vmem>> -> memref<128xi32, #tpu.memory_space<vmem>>
    %dma_wait3A_112 = arith.constant 0 : i32
    %dma_wait3A_113 = arith.constant 0 : i32
    %dma_wait3A_114 = tpu.memref_slice %arg5[%dma_wait3A_112, %dma_wait3A_113] : memref<1000000x32xf32, #tpu.memory_space<hbm>> -> memref<1000000x32xf32, #tpu.memory_space<hbm>>
    tpu.wait_indirect_dma semaphore(%arg14 : memref<!tpu.dma_semaphore, #tpu.memory_space<semaphore_mem>>) src(%dma_wait3A_114 : memref<1000000x32xf32, #tpu.memory_space<hbm>>) dst(%dma_wait3A_108 : memref<128x32xf32, #tpu.memory_space<vmem>>)
    %dma_wait3A_115 = arith.constant 1 : i32
    %dma_wait3A_116 = arith.constant 128 : i32
    %dma_wait3A_117 = arith.constant 0 : i32
    %dma_wait3A_118 = tpu.memref_slice %arg11[%dma_wait3A_116, %dma_wait3A_117] : memref<512x32xf32, #tpu.memory_space<vmem>> -> memref<128x32xf32, #tpu.memory_space<vmem>>
    %dma_wait3A_119 = arith.constant 0 : i32
    %dma_wait3A_120 = tpu.memref_slice %arg9[%dma_wait3A_115, %dma_wait3A_119] : memref<4x128xi32, #tpu.memory_space<vmem>> -> memref<1x128xi32, #tpu.memory_space<vmem>>
    %dma_wait3A_121 = tpu.memref_squeeze %dma_wait3A_120 : memref<1x128xi32, #tpu.memory_space<vmem>> -> memref<128xi32, #tpu.memory_space<vmem>>
    %dma_wait3A_122 = arith.constant 0 : i32
    %dma_wait3A_123 = arith.constant 0 : i32
    %dma_wait3A_124 = tpu.memref_slice %arg6[%dma_wait3A_122, %dma_wait3A_123] : memref<1000000x32xf32, #tpu.memory_space<hbm>> -> memref<1000000x32xf32, #tpu.memory_space<hbm>>
    tpu.wait_indirect_dma semaphore(%arg15 : memref<!tpu.dma_semaphore, #tpu.memory_space<semaphore_mem>>) src(%dma_wait3A_124 : memref<1000000x32xf32, #tpu.memory_space<hbm>>) dst(%dma_wait3A_118 : memref<128x32xf32, #tpu.memory_space<vmem>>)
    %dma_wait3A_125 = arith.constant 2 : i32
    %dma_wait3A_126 = arith.constant 256 : i32
    %dma_wait3A_127 = arith.constant 0 : i32
    %dma_wait3A_128 = tpu.memref_slice %arg10[%dma_wait3A_126, %dma_wait3A_127] : memref<512x32xf32, #tpu.memory_space<vmem>> -> memref<128x32xf32, #tpu.memory_space<vmem>>
    %dma_wait3A_129 = arith.constant 0 : i32
    %dma_wait3A_130 = tpu.memref_slice %arg8[%dma_wait3A_125, %dma_wait3A_129] : memref<4x128xi32, #tpu.memory_space<vmem>> -> memref<1x128xi32, #tpu.memory_space<vmem>>
    %dma_wait3A_131 = tpu.memref_squeeze %dma_wait3A_130 : memref<1x128xi32, #tpu.memory_space<vmem>> -> memref<128xi32, #tpu.memory_space<vmem>>
    %dma_wait3A_132 = arith.constant 0 : i32
    %dma_wait3A_133 = arith.constant 0 : i32
    %dma_wait3A_134 = tpu.memref_slice %arg5[%dma_wait3A_132, %dma_wait3A_133] : memref<1000000x32xf32, #tpu.memory_space<hbm>> -> memref<1000000x32xf32, #tpu.memory_space<hbm>>
    tpu.wait_indirect_dma semaphore(%arg14 : memref<!tpu.dma_semaphore, #tpu.memory_space<semaphore_mem>>) src(%dma_wait3A_134 : memref<1000000x32xf32, #tpu.memory_space<hbm>>) dst(%dma_wait3A_128 : memref<128x32xf32, #tpu.memory_space<vmem>>)
    %dma_wait3A_135 = arith.constant 2 : i32
    %dma_wait3A_136 = arith.constant 256 : i32
    %dma_wait3A_137 = arith.constant 0 : i32
    %dma_wait3A_138 = tpu.memref_slice %arg11[%dma_wait3A_136, %dma_wait3A_137] : memref<512x32xf32, #tpu.memory_space<vmem>> -> memref<128x32xf32, #tpu.memory_space<vmem>>
    %dma_wait3A_139 = arith.constant 0 : i32
    %dma_wait3A_140 = tpu.memref_slice %arg9[%dma_wait3A_135, %dma_wait3A_139] : memref<4x128xi32, #tpu.memory_space<vmem>> -> memref<1x128xi32, #tpu.memory_space<vmem>>
    %dma_wait3A_141 = tpu.memref_squeeze %dma_wait3A_140 : memref<1x128xi32, #tpu.memory_space<vmem>> -> memref<128xi32, #tpu.memory_space<vmem>>
    %dma_wait3A_142 = arith.constant 0 : i32
    %dma_wait3A_143 = arith.constant 0 : i32
    %dma_wait3A_144 = tpu.memref_slice %arg6[%dma_wait3A_142, %dma_wait3A_143] : memref<1000000x32xf32, #tpu.memory_space<hbm>> -> memref<1000000x32xf32, #tpu.memory_space<hbm>>
    tpu.wait_indirect_dma semaphore(%arg15 : memref<!tpu.dma_semaphore, #tpu.memory_space<semaphore_mem>>) src(%dma_wait3A_144 : memref<1000000x32xf32, #tpu.memory_space<hbm>>) dst(%dma_wait3A_138 : memref<128x32xf32, #tpu.memory_space<vmem>>)
    %dma_wait3A_145 = arith.constant 3 : i32
    %dma_wait3A_146 = arith.constant 384 : i32
    %dma_wait3A_147 = arith.constant 0 : i32
    %dma_wait3A_148 = tpu.memref_slice %arg10[%dma_wait3A_146, %dma_wait3A_147] : memref<512x32xf32, #tpu.memory_space<vmem>> -> memref<128x32xf32, #tpu.memory_space<vmem>>
    %dma_wait3A_149 = arith.constant 0 : i32
    %dma_wait3A_150 = tpu.memref_slice %arg8[%dma_wait3A_145, %dma_wait3A_149] : memref<4x128xi32, #tpu.memory_space<vmem>> -> memref<1x128xi32, #tpu.memory_space<vmem>>
    %dma_wait3A_151 = tpu.memref_squeeze %dma_wait3A_150 : memref<1x128xi32, #tpu.memory_space<vmem>> -> memref<128xi32, #tpu.memory_space<vmem>>
    %dma_wait3A_152 = arith.constant 0 : i32
    %dma_wait3A_153 = arith.constant 0 : i32
    %dma_wait3A_154 = tpu.memref_slice %arg5[%dma_wait3A_152, %dma_wait3A_153] : memref<1000000x32xf32, #tpu.memory_space<hbm>> -> memref<1000000x32xf32, #tpu.memory_space<hbm>>
    tpu.wait_indirect_dma semaphore(%arg14 : memref<!tpu.dma_semaphore, #tpu.memory_space<semaphore_mem>>) src(%dma_wait3A_154 : memref<1000000x32xf32, #tpu.memory_space<hbm>>) dst(%dma_wait3A_148 : memref<128x32xf32, #tpu.memory_space<vmem>>)
    %dma_wait3A_155 = arith.constant 3 : i32
    %dma_wait3A_156 = arith.constant 384 : i32
    %dma_wait3A_157 = arith.constant 0 : i32
    %dma_wait3A_158 = tpu.memref_slice %arg11[%dma_wait3A_156, %dma_wait3A_157] : memref<512x32xf32, #tpu.memory_space<vmem>> -> memref<128x32xf32, #tpu.memory_space<vmem>>
    %dma_wait3A_159 = arith.constant 0 : i32
    %dma_wait3A_160 = tpu.memref_slice %arg9[%dma_wait3A_155, %dma_wait3A_159] : memref<4x128xi32, #tpu.memory_space<vmem>> -> memref<1x128xi32, #tpu.memory_space<vmem>>
    %dma_wait3A_161 = tpu.memref_squeeze %dma_wait3A_160 : memref<1x128xi32, #tpu.memory_space<vmem>> -> memref<128xi32, #tpu.memory_space<vmem>>
    %dma_wait3A_162 = arith.constant 0 : i32
    %dma_wait3A_163 = arith.constant 0 : i32
    %dma_wait3A_164 = tpu.memref_slice %arg6[%dma_wait3A_162, %dma_wait3A_163] : memref<1000000x32xf32, #tpu.memory_space<hbm>> -> memref<1000000x32xf32, #tpu.memory_space<hbm>>
    tpu.wait_indirect_dma semaphore(%arg15 : memref<!tpu.dma_semaphore, #tpu.memory_space<semaphore_mem>>) src(%dma_wait3A_164 : memref<1000000x32xf32, #tpu.memory_space<hbm>>) dst(%dma_wait3A_158 : memref<128x32xf32, #tpu.memory_space<vmem>>)
    %broadcast_in_dim3A = arith.constant 16 : i32
    %broadcast_in_dim3A_165 = vector.broadcast %broadcast_in_dim3A : i32 to vector<16xi32>
    %gather3A = tpu.vector_load_idx %arg12[%broadcast_in_dim3A_165] : memref<64xf32, #tpu.memory_space<vmem>>[vector<16xi32>], vector<16xf32>,
    %broadcast_in_dim3A_166 = arith.constant 17 : i32
    %broadcast_in_dim3A_167 = vector.broadcast %broadcast_in_dim3A_166 : i32 to vector<16xi32>
    %gather3A_168 = tpu.vector_load_idx %arg12[%broadcast_in_dim3A_167] : memref<64xf32, #tpu.memory_space<vmem>>[vector<16xi32>], vector<16xf32>,
    %broadcast_in_dim3A_169 = arith.constant 18 : i32
    %broadcast_in_dim3A_170 = vector.broadcast %broadcast_in_dim3A_169 : i32 to vector<16xi32>
    %gather3A_171 = tpu.vector_load_idx %arg12[%broadcast_in_dim3A_170] : memref<64xf32, #tpu.memory_space<vmem>>[vector<16xi32>], vector<16xf32>,
    %broadcast_in_dim3A_172 = arith.constant 19 : i32
    %broadcast_in_dim3A_173 = vector.broadcast %broadcast_in_dim3A_172 : i32 to vector<16xi32>
    %gather3A_174 = tpu.vector_load_idx %arg12[%broadcast_in_dim3A_173] : memref<64xf32, #tpu.memory_space<vmem>>[vector<16xi32>], vector<16xf32>,
    %broadcast_in_dim3A_175 = arith.constant 20 : i32
    %broadcast_in_dim3A_176 = vector.broadcast %broadcast_in_dim3A_175 : i32 to vector<16xi32>
    %gather3A_177 = tpu.vector_load_idx %arg12[%broadcast_in_dim3A_176] : memref<64xf32, #tpu.memory_space<vmem>>[vector<16xi32>], vector<16xf32>,
    %broadcast_in_dim3A_178 = arith.constant 21 : i32
    %broadcast_in_dim3A_179 = vector.broadcast %broadcast_in_dim3A_178 : i32 to vector<16xi32>
    %gather3A_180 = tpu.vector_load_idx %arg12[%broadcast_in_dim3A_179] : memref<64xf32, #tpu.memory_space<vmem>>[vector<16xi32>], vector<16xf32>,
    %broadcast_in_dim3A_181 = arith.constant 22 : i32
    %broadcast_in_dim3A_182 = vector.broadcast %broadcast_in_dim3A_181 : i32 to vector<16xi32>
    %gather3A_183 = tpu.vector_load_idx %arg12[%broadcast_in_dim3A_182] : memref<64xf32, #tpu.memory_space<vmem>>[vector<16xi32>], vector<16xf32>,
    %broadcast_in_dim3A_184 = arith.constant 23 : i32
    %broadcast_in_dim3A_185 = vector.broadcast %broadcast_in_dim3A_184 : i32 to vector<16xi32>
    %gather3A_186 = tpu.vector_load_idx %arg12[%broadcast_in_dim3A_185] : memref<64xf32, #tpu.memory_space<vmem>>[vector<16xi32>], vector<16xf32>,
    %broadcast_in_dim3A_187 = arith.constant 24 : i32
    %broadcast_in_dim3A_188 = vector.broadcast %broadcast_in_dim3A_187 : i32 to vector<16xi32>
    %gather3A_189 = tpu.vector_load_idx %arg12[%broadcast_in_dim3A_188] : memref<64xf32, #tpu.memory_space<vmem>>[vector<16xi32>], vector<16xf32>,
    %broadcast_in_dim3A_190 = arith.constant 25 : i32
    %broadcast_in_dim3A_191 = vector.broadcast %broadcast_in_dim3A_190 : i32 to vector<16xi32>
    %gather3A_192 = tpu.vector_load_idx %arg12[%broadcast_in_dim3A_191] : memref<64xf32, #tpu.memory_space<vmem>>[vector<16xi32>], vector<16xf32>,
    %broadcast_in_dim3A_193 = arith.constant 26 : i32
    %broadcast_in_dim3A_194 = vector.broadcast %broadcast_in_dim3A_193 : i32 to vector<16xi32>
    %gather3A_195 = tpu.vector_load_idx %arg12[%broadcast_in_dim3A_194] : memref<64xf32, #tpu.memory_space<vmem>>[vector<16xi32>], vector<16xf32>,
    %broadcast_in_dim3A_196 = arith.constant 27 : i32
    %broadcast_in_dim3A_197 = vector.broadcast %broadcast_in_dim3A_196 : i32 to vector<16xi32>
    %gather3A_198 = tpu.vector_load_idx %arg12[%broadcast_in_dim3A_197] : memref<64xf32, #tpu.memory_space<vmem>>[vector<16xi32>], vector<16xf32>,
    %broadcast_in_dim3A_199 = arith.constant 28 : i32
    %broadcast_in_dim3A_200 = vector.broadcast %broadcast_in_dim3A_199 : i32 to vector<16xi32>
    %gather3A_201 = tpu.vector_load_idx %arg12[%broadcast_in_dim3A_200] : memref<64xf32, #tpu.memory_space<vmem>>[vector<16xi32>], vector<16xf32>,
    %broadcast_in_dim3A_202 = arith.constant 29 : i32
    %broadcast_in_dim3A_203 = vector.broadcast %broadcast_in_dim3A_202 : i32 to vector<16xi32>
    %gather3A_204 = tpu.vector_load_idx %arg12[%broadcast_in_dim3A_203] : memref<64xf32, #tpu.memory_space<vmem>>[vector<16xi32>], vector<16xf32>,
    %broadcast_in_dim3A_205 = arith.constant 30 : i32
    %broadcast_in_dim3A_206 = vector.broadcast %broadcast_in_dim3A_205 : i32 to vector<16xi32>
    %gather3A_207 = tpu.vector_load_idx %arg12[%broadcast_in_dim3A_206] : memref<64xf32, #tpu.memory_space<vmem>>[vector<16xi32>], vector<16xf32>,
    %broadcast_in_dim3A_208 = arith.constant 31 : i32
    %broadcast_in_dim3A_209 = vector.broadcast %broadcast_in_dim3A_208 : i32 to vector<16xi32>
    %gather3A_210 = tpu.vector_load_idx %arg12[%broadcast_in_dim3A_209] : memref<64xf32, #tpu.memory_space<vmem>>[vector<16xi32>], vector<16xf32>,
    %broadcast_in_dim3A_211 = arith.constant 32 : i32
    %broadcast_in_dim3A_212 = vector.broadcast %broadcast_in_dim3A_211 : i32 to vector<16xi32>
    %gather3A_213 = tpu.vector_load_idx %arg12[%broadcast_in_dim3A_212] : memref<64xf32, #tpu.memory_space<vmem>>[vector<16xi32>], vector<16xf32>,
    %broadcast_in_dim3A_214 = arith.constant 33 : i32
    %broadcast_in_dim3A_215 = vector.broadcast %broadcast_in_dim3A_214 : i32 to vector<16xi32>
    %gather3A_216 = tpu.vector_load_idx %arg12[%broadcast_in_dim3A_215] : memref<64xf32, #tpu.memory_space<vmem>>[vector<16xi32>], vector<16xf32>,
    %broadcast_in_dim3A_217 = arith.constant 34 : i32
    %broadcast_in_dim3A_218 = vector.broadcast %broadcast_in_dim3A_217 : i32 to vector<16xi32>
    %gather3A_219 = tpu.vector_load_idx %arg12[%broadcast_in_dim3A_218] : memref<64xf32, #tpu.memory_space<vmem>>[vector<16xi32>], vector<16xf32>,
    %broadcast_in_dim3A_220 = arith.constant 35 : i32
    %broadcast_in_dim3A_221 = vector.broadcast %broadcast_in_dim3A_220 : i32 to vector<16xi32>
    %gather3A_222 = tpu.vector_load_idx %arg12[%broadcast_in_dim3A_221] : memref<64xf32, #tpu.memory_space<vmem>>[vector<16xi32>], vector<16xf32>,
    %broadcast_in_dim3A_223 = arith.constant 36 : i32
    %broadcast_in_dim3A_224 = vector.broadcast %broadcast_in_dim3A_223 : i32 to vector<16xi32>
    %gather3A_225 = tpu.vector_load_idx %arg12[%broadcast_in_dim3A_224] : memref<64xf32, #tpu.memory_space<vmem>>[vector<16xi32>], vector<16xf32>,
    %broadcast_in_dim3A_226 = arith.constant 37 : i32
    %broadcast_in_dim3A_227 = vector.broadcast %broadcast_in_dim3A_226 : i32 to vector<16xi32>
    %gather3A_228 = tpu.vector_load_idx %arg12[%broadcast_in_dim3A_227] : memref<64xf32, #tpu.memory_space<vmem>>[vector<16xi32>], vector<16xf32>,
    %broadcast_in_dim3A_229 = arith.constant 38 : i32
    %broadcast_in_dim3A_230 = vector.broadcast %broadcast_in_dim3A_229 : i32 to vector<16xi32>
    %gather3A_231 = tpu.vector_load_idx %arg12[%broadcast_in_dim3A_230] : memref<64xf32, #tpu.memory_space<vmem>>[vector<16xi32>], vector<16xf32>,
    %broadcast_in_dim3A_232 = arith.constant 39 : i32
    %broadcast_in_dim3A_233 = vector.broadcast %broadcast_in_dim3A_232 : i32 to vector<16xi32>
    %gather3A_234 = tpu.vector_load_idx %arg12[%broadcast_in_dim3A_233] : memref<64xf32, #tpu.memory_space<vmem>>[vector<16xi32>], vector<16xf32>,
    %broadcast_in_dim3A_235 = arith.constant 40 : i32
    %broadcast_in_dim3A_236 = vector.broadcast %broadcast_in_dim3A_235 : i32 to vector<16xi32>
    %gather3A_237 = tpu.vector_load_idx %arg12[%broadcast_in_dim3A_236] : memref<64xf32, #tpu.memory_space<vmem>>[vector<16xi32>], vector<16xf32>,
    %broadcast_in_dim3A_238 = arith.constant 41 : i32
    %broadcast_in_dim3A_239 = vector.broadcast %broadcast_in_dim3A_238 : i32 to vector<16xi32>
    %gather3A_240 = tpu.vector_load_idx %arg12[%broadcast_in_dim3A_239] : memref<64xf32, #tpu.memory_space<vmem>>[vector<16xi32>], vector<16xf32>,
    %broadcast_in_dim3A_241 = arith.constant 42 : i32
    %broadcast_in_dim3A_242 = vector.broadcast %broadcast_in_dim3A_241 : i32 to vector<16xi32>
    %gather3A_243 = tpu.vector_load_idx %arg12[%broadcast_in_dim3A_242] : memref<64xf32, #tpu.memory_space<vmem>>[vector<16xi32>], vector<16xf32>,
    %broadcast_in_dim3A_244 = arith.constant 43 : i32
    %broadcast_in_dim3A_245 = vector.broadcast %broadcast_in_dim3A_244 : i32 to vector<16xi32>
    %gather3A_246 = tpu.vector_load_idx %arg12[%broadcast_in_dim3A_245] : memref<64xf32, #tpu.memory_space<vmem>>[vector<16xi32>], vector<16xf32>,
    %broadcast_in_dim3A_247 = arith.constant 44 : i32
    %broadcast_in_dim3A_248 = vector.broadcast %broadcast_in_dim3A_247 : i32 to vector<16xi32>
    %gather3A_249 = tpu.vector_load_idx %arg12[%broadcast_in_dim3A_248] : memref<64xf32, #tpu.memory_space<vmem>>[vector<16xi32>], vector<16xf32>,
    %broadcast_in_dim3A_250 = arith.constant 45 : i32
    %broadcast_in_dim3A_251 = vector.broadcast %broadcast_in_dim3A_250 : i32 to vector<16xi32>
    %gather3A_252 = tpu.vector_load_idx %arg12[%broadcast_in_dim3A_251] : memref<64xf32, #tpu.memory_space<vmem>>[vector<16xi32>], vector<16xf32>,
    %broadcast_in_dim3A_253 = arith.constant 46 : i32
    %broadcast_in_dim3A_254 = vector.broadcast %broadcast_in_dim3A_253 : i32 to vector<16xi32>
    %gather3A_255 = tpu.vector_load_idx %arg12[%broadcast_in_dim3A_254] : memref<64xf32, #tpu.memory_space<vmem>>[vector<16xi32>], vector<16xf32>,
    %broadcast_in_dim3A_256 = arith.constant 47 : i32
    %broadcast_in_dim3A_257 = vector.broadcast %broadcast_in_dim3A_256 : i32 to vector<16xi32>
    %gather3A_258 = tpu.vector_load_idx %arg12[%broadcast_in_dim3A_257] : memref<64xf32, #tpu.memory_space<vmem>>[vector<16xi32>], vector<16xf32>,
    %broadcast_in_dim3A_259 = arith.constant 48 : i32
    %broadcast_in_dim3A_260 = vector.broadcast %broadcast_in_dim3A_259 : i32 to vector<16xi32>
    %gather3A_261 = tpu.vector_load_idx %arg12[%broadcast_in_dim3A_260] : memref<64xf32, #tpu.memory_space<vmem>>[vector<16xi32>], vector<16xf32>,
    %iota3A = tpu.iota {dimensions = array<i32: 0>} : vector<16xi32>
    %scan3A = arith.constant 0 : i32
    %scan3A_262 = arith.constant 32 : i32
    %scan3A_263 = arith.addi %scan3A, %scan3A_262 : i32
    %scan3A_264 = arith.constant 1 : i32
    scf.for %scan3A_266 = %scan3A to %scan3A_263 step %scan3A_264  : i32 {
      %mul3A_267 = arith.constant 16 : i32
      %mul3A_268 = arith.muli %scan3A_266, %mul3A_267 : i32
      %add3A_269 = arith.constant 0 : i32
      %add3A_270 = arith.addi %add3A_269, %mul3A_268 : i32
      %add3A_271 = vector.broadcast %add3A_270 : i32 to vector<16xi32>
      %add3A_272 = arith.addi %iota3A, %add3A_271 : vector<16xi32>
      %broadcast_in_dim3A_273 = arith.constant 0 : i32
      %broadcast_in_dim3A_274 = vector.broadcast %broadcast_in_dim3A_273 : i32 to vector<16xi32>
      %gather3A_275 = tpu.vector_load_idx %arg10[%add3A_272, %broadcast_in_dim3A_274] : memref<512x32xf32, #tpu.memory_space<vmem>>[vector<16xi32>, vector<16xi32>], vector<16xf32>,
      %gather3A_276 = tpu.vector_load_idx %arg11[%add3A_272, %broadcast_in_dim3A_274] : memref<512x32xf32, #tpu.memory_space<vmem>>[vector<16xi32>, vector<16xi32>], vector<16xf32>,
      %mul3A_277 = arith.mulf %gather3A_275, %gather3A_276 : vector<16xf32>
      %mul3A_278 = arith.mulf %mul3A_277, %gather3A : vector<16xf32>
      %add3A_279 = arith.addf %gather3A_261, %mul3A_278 : vector<16xf32>
      %broadcast_in_dim3A_280 = arith.constant 1 : i32
      %broadcast_in_dim3A_281 = vector.broadcast %broadcast_in_dim3A_280 : i32 to vector<16xi32>
      %gather3A_282 = tpu.vector_load_idx %arg10[%add3A_272, %broadcast_in_dim3A_281] : memref<512x32xf32, #tpu.memory_space<vmem>>[vector<16xi32>, vector<16xi32>], vector<16xf32>,
      %gather3A_283 = tpu.vector_load_idx %arg11[%add3A_272, %broadcast_in_dim3A_281] : memref<512x32xf32, #tpu.memory_space<vmem>>[vector<16xi32>, vector<16xi32>], vector<16xf32>,
      %mul3A_284 = arith.mulf %gather3A_282, %gather3A_283 : vector<16xf32>
      %mul3A_285 = arith.mulf %mul3A_284, %gather3A_168 : vector<16xf32>
      %add3A_286 = arith.addf %add3A_279, %mul3A_285 : vector<16xf32>
      %broadcast_in_dim3A_287 = arith.constant 2 : i32
      %broadcast_in_dim3A_288 = vector.broadcast %broadcast_in_dim3A_287 : i32 to vector<16xi32>
      %gather3A_289 = tpu.vector_load_idx %arg10[%add3A_272, %broadcast_in_dim3A_288] : memref<512x32xf32, #tpu.memory_space<vmem>>[vector<16xi32>, vector<16xi32>], vector<16xf32>,
      %gather3A_290 = tpu.vector_load_idx %arg11[%add3A_272, %broadcast_in_dim3A_288] : memref<512x32xf32, #tpu.memory_space<vmem>>[vector<16xi32>, vector<16xi32>], vector<16xf32>,
      %mul3A_291 = arith.mulf %gather3A_289, %gather3A_290 : vector<16xf32>
      %mul3A_292 = arith.mulf %mul3A_291, %gather3A_171 : vector<16xf32>
      %add3A_293 = arith.addf %add3A_286, %mul3A_292 : vector<16xf32>
      %broadcast_in_dim3A_294 = arith.constant 3 : i32
      %broadcast_in_dim3A_295 = vector.broadcast %broadcast_in_dim3A_294 : i32 to vector<16xi32>
      %gather3A_296 = tpu.vector_load_idx %arg10[%add3A_272, %broadcast_in_dim3A_295] : memref<512x32xf32, #tpu.memory_space<vmem>>[vector<16xi32>, vector<16xi32>], vector<16xf32>,
      %gather3A_297 = tpu.vector_load_idx %arg11[%add3A_272, %broadcast_in_dim3A_295] : memref<512x32xf32, #tpu.memory_space<vmem>>[vector<16xi32>, vector<16xi32>], vector<16xf32>,
      %mul3A_298 = arith.mulf %gather3A_296, %gather3A_297 : vector<16xf32>
      %mul3A_299 = arith.mulf %mul3A_298, %gather3A_174 : vector<16xf32>
      %add3A_300 = arith.addf %add3A_293, %mul3A_299 : vector<16xf32>
      %broadcast_in_dim3A_301 = arith.constant 4 : i32
      %broadcast_in_dim3A_302 = vector.broadcast %broadcast_in_dim3A_301 : i32 to vector<16xi32>
      %gather3A_303 = tpu.vector_load_idx %arg10[%add3A_272, %broadcast_in_dim3A_302] : memref<512x32xf32, #tpu.memory_space<vmem>>[vector<16xi32>, vector<16xi32>], vector<16xf32>,
      %gather3A_304 = tpu.vector_load_idx %arg11[%add3A_272, %broadcast_in_dim3A_302] : memref<512x32xf32, #tpu.memory_space<vmem>>[vector<16xi32>, vector<16xi32>], vector<16xf32>,
      %mul3A_305 = arith.mulf %gather3A_303, %gather3A_304 : vector<16xf32>
      %mul3A_306 = arith.mulf %mul3A_305, %gather3A_177 : vector<16xf32>
      %add3A_307 = arith.addf %add3A_300, %mul3A_306 : vector<16xf32>
      %broadcast_in_dim3A_308 = arith.constant 5 : i32
      %broadcast_in_dim3A_309 = vector.broadcast %broadcast_in_dim3A_308 : i32 to vector<16xi32>
      %gather3A_310 = tpu.vector_load_idx %arg10[%add3A_272, %broadcast_in_dim3A_309] : memref<512x32xf32, #tpu.memory_space<vmem>>[vector<16xi32>, vector<16xi32>], vector<16xf32>,
      %gather3A_311 = tpu.vector_load_idx %arg11[%add3A_272, %broadcast_in_dim3A_309] : memref<512x32xf32, #tpu.memory_space<vmem>>[vector<16xi32>, vector<16xi32>], vector<16xf32>,
      %mul3A_312 = arith.mulf %gather3A_310, %gather3A_311 : vector<16xf32>
      %mul3A_313 = arith.mulf %mul3A_312, %gather3A_180 : vector<16xf32>
      %add3A_314 = arith.addf %add3A_307, %mul3A_313 : vector<16xf32>
      %broadcast_in_dim3A_315 = arith.constant 6 : i32
      %broadcast_in_dim3A_316 = vector.broadcast %broadcast_in_dim3A_315 : i32 to vector<16xi32>
      %gather3A_317 = tpu.vector_load_idx %arg10[%add3A_272, %broadcast_in_dim3A_316] : memref<512x32xf32, #tpu.memory_space<vmem>>[vector<16xi32>, vector<16xi32>], vector<16xf32>,
      %gather3A_318 = tpu.vector_load_idx %arg11[%add3A_272, %broadcast_in_dim3A_316] : memref<512x32xf32, #tpu.memory_space<vmem>>[vector<16xi32>, vector<16xi32>], vector<16xf32>,
      %mul3A_319 = arith.mulf %gather3A_317, %gather3A_318 : vector<16xf32>
      %mul3A_320 = arith.mulf %mul3A_319, %gather3A_183 : vector<16xf32>
      %add3A_321 = arith.addf %add3A_314, %mul3A_320 : vector<16xf32>
      %broadcast_in_dim3A_322 = arith.constant 7 : i32
      %broadcast_in_dim3A_323 = vector.broadcast %broadcast_in_dim3A_322 : i32 to vector<16xi32>
      %gather3A_324 = tpu.vector_load_idx %arg10[%add3A_272, %broadcast_in_dim3A_323] : memref<512x32xf32, #tpu.memory_space<vmem>>[vector<16xi32>, vector<16xi32>], vector<16xf32>,
      %gather3A_325 = tpu.vector_load_idx %arg11[%add3A_272, %broadcast_in_dim3A_323] : memref<512x32xf32, #tpu.memory_space<vmem>>[vector<16xi32>, vector<16xi32>], vector<16xf32>,
      %mul3A_326 = arith.mulf %gather3A_324, %gather3A_325 : vector<16xf32>
      %mul3A_327 = arith.mulf %mul3A_326, %gather3A_186 : vector<16xf32>
      %add3A_328 = arith.addf %add3A_321, %mul3A_327 : vector<16xf32>
      %broadcast_in_dim3A_329 = arith.constant 8 : i32
      %broadcast_in_dim3A_330 = vector.broadcast %broadcast_in_dim3A_329 : i32 to vector<16xi32>
      %gather3A_331 = tpu.vector_load_idx %arg10[%add3A_272, %broadcast_in_dim3A_330] : memref<512x32xf32, #tpu.memory_space<vmem>>[vector<16xi32>, vector<16xi32>], vector<16xf32>,
      %gather3A_332 = tpu.vector_load_idx %arg11[%add3A_272, %broadcast_in_dim3A_330] : memref<512x32xf32, #tpu.memory_space<vmem>>[vector<16xi32>, vector<16xi32>], vector<16xf32>,
      %mul3A_333 = arith.mulf %gather3A_331, %gather3A_332 : vector<16xf32>
      %mul3A_334 = arith.mulf %mul3A_333, %gather3A_189 : vector<16xf32>
      %add3A_335 = arith.addf %add3A_328, %mul3A_334 : vector<16xf32>
      %broadcast_in_dim3A_336 = arith.constant 9 : i32
      %broadcast_in_dim3A_337 = vector.broadcast %broadcast_in_dim3A_336 : i32 to vector<16xi32>
      %gather3A_338 = tpu.vector_load_idx %arg10[%add3A_272, %broadcast_in_dim3A_337] : memref<512x32xf32, #tpu.memory_space<vmem>>[vector<16xi32>, vector<16xi32>], vector<16xf32>,
      %gather3A_339 = tpu.vector_load_idx %arg11[%add3A_272, %broadcast_in_dim3A_337] : memref<512x32xf32, #tpu.memory_space<vmem>>[vector<16xi32>, vector<16xi32>], vector<16xf32>,
      %mul3A_340 = arith.mulf %gather3A_338, %gather3A_339 : vector<16xf32>
      %mul3A_341 = arith.mulf %mul3A_340, %gather3A_192 : vector<16xf32>
      %add3A_342 = arith.addf %add3A_335, %mul3A_341 : vector<16xf32>
      %broadcast_in_dim3A_343 = arith.constant 10 : i32
      %broadcast_in_dim3A_344 = vector.broadcast %broadcast_in_dim3A_343 : i32 to vector<16xi32>
      %gather3A_345 = tpu.vector_load_idx %arg10[%add3A_272, %broadcast_in_dim3A_344] : memref<512x32xf32, #tpu.memory_space<vmem>>[vector<16xi32>, vector<16xi32>], vector<16xf32>,
      %gather3A_346 = tpu.vector_load_idx %arg11[%add3A_272, %broadcast_in_dim3A_344] : memref<512x32xf32, #tpu.memory_space<vmem>>[vector<16xi32>, vector<16xi32>], vector<16xf32>,
      %mul3A_347 = arith.mulf %gather3A_345, %gather3A_346 : vector<16xf32>
      %mul3A_348 = arith.mulf %mul3A_347, %gather3A_195 : vector<16xf32>
      %add3A_349 = arith.addf %add3A_342, %mul3A_348 : vector<16xf32>
      %broadcast_in_dim3A_350 = arith.constant 11 : i32
      %broadcast_in_dim3A_351 = vector.broadcast %broadcast_in_dim3A_350 : i32 to vector<16xi32>
      %gather3A_352 = tpu.vector_load_idx %arg10[%add3A_272, %broadcast_in_dim3A_351] : memref<512x32xf32, #tpu.memory_space<vmem>>[vector<16xi32>, vector<16xi32>], vector<16xf32>,
      %gather3A_353 = tpu.vector_load_idx %arg11[%add3A_272, %broadcast_in_dim3A_351] : memref<512x32xf32, #tpu.memory_space<vmem>>[vector<16xi32>, vector<16xi32>], vector<16xf32>,
      %mul3A_354 = arith.mulf %gather3A_352, %gather3A_353 : vector<16xf32>
      %mul3A_355 = arith.mulf %mul3A_354, %gather3A_198 : vector<16xf32>
      %add3A_356 = arith.addf %add3A_349, %mul3A_355 : vector<16xf32>
      %broadcast_in_dim3A_357 = arith.constant 12 : i32
      %broadcast_in_dim3A_358 = vector.broadcast %broadcast_in_dim3A_357 : i32 to vector<16xi32>
      %gather3A_359 = tpu.vector_load_idx %arg10[%add3A_272, %broadcast_in_dim3A_358] : memref<512x32xf32, #tpu.memory_space<vmem>>[vector<16xi32>, vector<16xi32>], vector<16xf32>,
      %gather3A_360 = tpu.vector_load_idx %arg11[%add3A_272, %broadcast_in_dim3A_358] : memref<512x32xf32, #tpu.memory_space<vmem>>[vector<16xi32>, vector<16xi32>], vector<16xf32>,
      %mul3A_361 = arith.mulf %gather3A_359, %gather3A_360 : vector<16xf32>
      %mul3A_362 = arith.mulf %mul3A_361, %gather3A_201 : vector<16xf32>
      %add3A_363 = arith.addf %add3A_356, %mul3A_362 : vector<16xf32>
      %broadcast_in_dim3A_364 = arith.constant 13 : i32
      %broadcast_in_dim3A_365 = vector.broadcast %broadcast_in_dim3A_364 : i32 to vector<16xi32>
      %gather3A_366 = tpu.vector_load_idx %arg10[%add3A_272, %broadcast_in_dim3A_365] : memref<512x32xf32, #tpu.memory_space<vmem>>[vector<16xi32>, vector<16xi32>], vector<16xf32>,
      %gather3A_367 = tpu.vector_load_idx %arg11[%add3A_272, %broadcast_in_dim3A_365] : memref<512x32xf32, #tpu.memory_space<vmem>>[vector<16xi32>, vector<16xi32>], vector<16xf32>,
      %mul3A_368 = arith.mulf %gather3A_366, %gather3A_367 : vector<16xf32>
      %mul3A_369 = arith.mulf %mul3A_368, %gather3A_204 : vector<16xf32>
      %add3A_370 = arith.addf %add3A_363, %mul3A_369 : vector<16xf32>
      %broadcast_in_dim3A_371 = arith.constant 14 : i32
      %broadcast_in_dim3A_372 = vector.broadcast %broadcast_in_dim3A_371 : i32 to vector<16xi32>
      %gather3A_373 = tpu.vector_load_idx %arg10[%add3A_272, %broadcast_in_dim3A_372] : memref<512x32xf32, #tpu.memory_space<vmem>>[vector<16xi32>, vector<16xi32>], vector<16xf32>,
      %gather3A_374 = tpu.vector_load_idx %arg11[%add3A_272, %broadcast_in_dim3A_372] : memref<512x32xf32, #tpu.memory_space<vmem>>[vector<16xi32>, vector<16xi32>], vector<16xf32>,
      %mul3A_375 = arith.mulf %gather3A_373, %gather3A_374 : vector<16xf32>
      %mul3A_376 = arith.mulf %mul3A_375, %gather3A_207 : vector<16xf32>
      %add3A_377 = arith.addf %add3A_370, %mul3A_376 : vector<16xf32>
      %broadcast_in_dim3A_378 = arith.constant 15 : i32
      %broadcast_in_dim3A_379 = vector.broadcast %broadcast_in_dim3A_378 : i32 to vector<16xi32>
      %gather3A_380 = tpu.vector_load_idx %arg10[%add3A_272, %broadcast_in_dim3A_379] : memref<512x32xf32, #tpu.memory_space<vmem>>[vector<16xi32>, vector<16xi32>], vector<16xf32>,
      %gather3A_381 = tpu.vector_load_idx %arg11[%add3A_272, %broadcast_in_dim3A_379] : memref<512x32xf32, #tpu.memory_space<vmem>>[vector<16xi32>, vector<16xi32>], vector<16xf32>,
      %mul3A_382 = arith.mulf %gather3A_380, %gather3A_381 : vector<16xf32>
      %mul3A_383 = arith.mulf %mul3A_382, %gather3A_210 : vector<16xf32>
      %add3A_384 = arith.addf %add3A_377, %mul3A_383 : vector<16xf32>
      %broadcast_in_dim3A_385 = arith.constant 16 : i32
      %broadcast_in_dim3A_386 = vector.broadcast %broadcast_in_dim3A_385 : i32 to vector<16xi32>
      %gather3A_387 = tpu.vector_load_idx %arg10[%add3A_272, %broadcast_in_dim3A_386] : memref<512x32xf32, #tpu.memory_space<vmem>>[vector<16xi32>, vector<16xi32>], vector<16xf32>,
      %gather3A_388 = tpu.vector_load_idx %arg11[%add3A_272, %broadcast_in_dim3A_386] : memref<512x32xf32, #tpu.memory_space<vmem>>[vector<16xi32>, vector<16xi32>], vector<16xf32>,
      %mul3A_389 = arith.mulf %gather3A_387, %gather3A_388 : vector<16xf32>
      %mul3A_390 = arith.mulf %mul3A_389, %gather3A_213 : vector<16xf32>
      %add3A_391 = arith.addf %add3A_384, %mul3A_390 : vector<16xf32>
      %broadcast_in_dim3A_392 = arith.constant 17 : i32
      %broadcast_in_dim3A_393 = vector.broadcast %broadcast_in_dim3A_392 : i32 to vector<16xi32>
      %gather3A_394 = tpu.vector_load_idx %arg10[%add3A_272, %broadcast_in_dim3A_393] : memref<512x32xf32, #tpu.memory_space<vmem>>[vector<16xi32>, vector<16xi32>], vector<16xf32>,
      %gather3A_395 = tpu.vector_load_idx %arg11[%add3A_272, %broadcast_in_dim3A_393] : memref<512x32xf32, #tpu.memory_space<vmem>>[vector<16xi32>, vector<16xi32>], vector<16xf32>,
      %mul3A_396 = arith.mulf %gather3A_394, %gather3A_395 : vector<16xf32>
      %mul3A_397 = arith.mulf %mul3A_396, %gather3A_216 : vector<16xf32>
      %add3A_398 = arith.addf %add3A_391, %mul3A_397 : vector<16xf32>
      %broadcast_in_dim3A_399 = arith.constant 18 : i32
      %broadcast_in_dim3A_400 = vector.broadcast %broadcast_in_dim3A_399 : i32 to vector<16xi32>
      %gather3A_401 = tpu.vector_load_idx %arg10[%add3A_272, %broadcast_in_dim3A_400] : memref<512x32xf32, #tpu.memory_space<vmem>>[vector<16xi32>, vector<16xi32>], vector<16xf32>,
      %gather3A_402 = tpu.vector_load_idx %arg11[%add3A_272, %broadcast_in_dim3A_400] : memref<512x32xf32, #tpu.memory_space<vmem>>[vector<16xi32>, vector<16xi32>], vector<16xf32>,
      %mul3A_403 = arith.mulf %gather3A_401, %gather3A_402 : vector<16xf32>
      %mul3A_404 = arith.mulf %mul3A_403, %gather3A_219 : vector<16xf32>
      %add3A_405 = arith.addf %add3A_398, %mul3A_404 : vector<16xf32>
      %broadcast_in_dim3A_406 = arith.constant 19 : i32
      %broadcast_in_dim3A_407 = vector.broadcast %broadcast_in_dim3A_406 : i32 to vector<16xi32>
      %gather3A_408 = tpu.vector_load_idx %arg10[%add3A_272, %broadcast_in_dim3A_407] : memref<512x32xf32, #tpu.memory_space<vmem>>[vector<16xi32>, vector<16xi32>], vector<16xf32>,
      %gather3A_409 = tpu.vector_load_idx %arg11[%add3A_272, %broadcast_in_dim3A_407] : memref<512x32xf32, #tpu.memory_space<vmem>>[vector<16xi32>, vector<16xi32>], vector<16xf32>,
      %mul3A_410 = arith.mulf %gather3A_408, %gather3A_409 : vector<16xf32>
      %mul3A_411 = arith.mulf %mul3A_410, %gather3A_222 : vector<16xf32>
      %add3A_412 = arith.addf %add3A_405, %mul3A_411 : vector<16xf32>
      %broadcast_in_dim3A_413 = arith.constant 20 : i32
      %broadcast_in_dim3A_414 = vector.broadcast %broadcast_in_dim3A_413 : i32 to vector<16xi32>
      %gather3A_415 = tpu.vector_load_idx %arg10[%add3A_272, %broadcast_in_dim3A_414] : memref<512x32xf32, #tpu.memory_space<vmem>>[vector<16xi32>, vector<16xi32>], vector<16xf32>,
      %gather3A_416 = tpu.vector_load_idx %arg11[%add3A_272, %broadcast_in_dim3A_414] : memref<512x32xf32, #tpu.memory_space<vmem>>[vector<16xi32>, vector<16xi32>], vector<16xf32>,
      %mul3A_417 = arith.mulf %gather3A_415, %gather3A_416 : vector<16xf32>
      %mul3A_418 = arith.mulf %mul3A_417, %gather3A_225 : vector<16xf32>
      %add3A_419 = arith.addf %add3A_412, %mul3A_418 : vector<16xf32>
      %broadcast_in_dim3A_420 = arith.constant 21 : i32
      %broadcast_in_dim3A_421 = vector.broadcast %broadcast_in_dim3A_420 : i32 to vector<16xi32>
      %gather3A_422 = tpu.vector_load_idx %arg10[%add3A_272, %broadcast_in_dim3A_421] : memref<512x32xf32, #tpu.memory_space<vmem>>[vector<16xi32>, vector<16xi32>], vector<16xf32>,
      %gather3A_423 = tpu.vector_load_idx %arg11[%add3A_272, %broadcast_in_dim3A_421] : memref<512x32xf32, #tpu.memory_space<vmem>>[vector<16xi32>, vector<16xi32>], vector<16xf32>,
      %mul3A_424 = arith.mulf %gather3A_422, %gather3A_423 : vector<16xf32>
      %mul3A_425 = arith.mulf %mul3A_424, %gather3A_228 : vector<16xf32>
      %add3A_426 = arith.addf %add3A_419, %mul3A_425 : vector<16xf32>
      %broadcast_in_dim3A_427 = arith.constant 22 : i32
      %broadcast_in_dim3A_428 = vector.broadcast %broadcast_in_dim3A_427 : i32 to vector<16xi32>
      %gather3A_429 = tpu.vector_load_idx %arg10[%add3A_272, %broadcast_in_dim3A_428] : memref<512x32xf32, #tpu.memory_space<vmem>>[vector<16xi32>, vector<16xi32>], vector<16xf32>,
      %gather3A_430 = tpu.vector_load_idx %arg11[%add3A_272, %broadcast_in_dim3A_428] : memref<512x32xf32, #tpu.memory_space<vmem>>[vector<16xi32>, vector<16xi32>], vector<16xf32>,
      %mul3A_431 = arith.mulf %gather3A_429, %gather3A_430 : vector<16xf32>
      %mul3A_432 = arith.mulf %mul3A_431, %gather3A_231 : vector<16xf32>
      %add3A_433 = arith.addf %add3A_426, %mul3A_432 : vector<16xf32>
      %broadcast_in_dim3A_434 = arith.constant 23 : i32
      %broadcast_in_dim3A_435 = vector.broadcast %broadcast_in_dim3A_434 : i32 to vector<16xi32>
      %gather3A_436 = tpu.vector_load_idx %arg10[%add3A_272, %broadcast_in_dim3A_435] : memref<512x32xf32, #tpu.memory_space<vmem>>[vector<16xi32>, vector<16xi32>], vector<16xf32>,
      %gather3A_437 = tpu.vector_load_idx %arg11[%add3A_272, %broadcast_in_dim3A_435] : memref<512x32xf32, #tpu.memory_space<vmem>>[vector<16xi32>, vector<16xi32>], vector<16xf32>,
      %mul3A_438 = arith.mulf %gather3A_436, %gather3A_437 : vector<16xf32>
      %mul3A_439 = arith.mulf %mul3A_438, %gather3A_234 : vector<16xf32>
      %add3A_440 = arith.addf %add3A_433, %mul3A_439 : vector<16xf32>
      %broadcast_in_dim3A_441 = arith.constant 24 : i32
      %broadcast_in_dim3A_442 = vector.broadcast %broadcast_in_dim3A_441 : i32 to vector<16xi32>
      %gather3A_443 = tpu.vector_load_idx %arg10[%add3A_272, %broadcast_in_dim3A_442] : memref<512x32xf32, #tpu.memory_space<vmem>>[vector<16xi32>, vector<16xi32>], vector<16xf32>,
      %gather3A_444 = tpu.vector_load_idx %arg11[%add3A_272, %broadcast_in_dim3A_442] : memref<512x32xf32, #tpu.memory_space<vmem>>[vector<16xi32>, vector<16xi32>], vector<16xf32>,
      %mul3A_445 = arith.mulf %gather3A_443, %gather3A_444 : vector<16xf32>
      %mul3A_446 = arith.mulf %mul3A_445, %gather3A_237 : vector<16xf32>
      %add3A_447 = arith.addf %add3A_440, %mul3A_446 : vector<16xf32>
      %broadcast_in_dim3A_448 = arith.constant 25 : i32
      %broadcast_in_dim3A_449 = vector.broadcast %broadcast_in_dim3A_448 : i32 to vector<16xi32>
      %gather3A_450 = tpu.vector_load_idx %arg10[%add3A_272, %broadcast_in_dim3A_449] : memref<512x32xf32, #tpu.memory_space<vmem>>[vector<16xi32>, vector<16xi32>], vector<16xf32>,
      %gather3A_451 = tpu.vector_load_idx %arg11[%add3A_272, %broadcast_in_dim3A_449] : memref<512x32xf32, #tpu.memory_space<vmem>>[vector<16xi32>, vector<16xi32>], vector<16xf32>,
      %mul3A_452 = arith.mulf %gather3A_450, %gather3A_451 : vector<16xf32>
      %mul3A_453 = arith.mulf %mul3A_452, %gather3A_240 : vector<16xf32>
      %add3A_454 = arith.addf %add3A_447, %mul3A_453 : vector<16xf32>
      %broadcast_in_dim3A_455 = arith.constant 26 : i32
      %broadcast_in_dim3A_456 = vector.broadcast %broadcast_in_dim3A_455 : i32 to vector<16xi32>
      %gather3A_457 = tpu.vector_load_idx %arg10[%add3A_272, %broadcast_in_dim3A_456] : memref<512x32xf32, #tpu.memory_space<vmem>>[vector<16xi32>, vector<16xi32>], vector<16xf32>,
      %gather3A_458 = tpu.vector_load_idx %arg11[%add3A_272, %broadcast_in_dim3A_456] : memref<512x32xf32, #tpu.memory_space<vmem>>[vector<16xi32>, vector<16xi32>], vector<16xf32>,
      %mul3A_459 = arith.mulf %gather3A_457, %gather3A_458 : vector<16xf32>
      %mul3A_460 = arith.mulf %mul3A_459, %gather3A_243 : vector<16xf32>
      %add3A_461 = arith.addf %add3A_454, %mul3A_460 : vector<16xf32>
      %broadcast_in_dim3A_462 = arith.constant 27 : i32
      %broadcast_in_dim3A_463 = vector.broadcast %broadcast_in_dim3A_462 : i32 to vector<16xi32>
      %gather3A_464 = tpu.vector_load_idx %arg10[%add3A_272, %broadcast_in_dim3A_463] : memref<512x32xf32, #tpu.memory_space<vmem>>[vector<16xi32>, vector<16xi32>], vector<16xf32>,
      %gather3A_465 = tpu.vector_load_idx %arg11[%add3A_272, %broadcast_in_dim3A_463] : memref<512x32xf32, #tpu.memory_space<vmem>>[vector<16xi32>, vector<16xi32>], vector<16xf32>,
      %mul3A_466 = arith.mulf %gather3A_464, %gather3A_465 : vector<16xf32>
      %mul3A_467 = arith.mulf %mul3A_466, %gather3A_246 : vector<16xf32>
      %add3A_468 = arith.addf %add3A_461, %mul3A_467 : vector<16xf32>
      %broadcast_in_dim3A_469 = arith.constant 28 : i32
      %broadcast_in_dim3A_470 = vector.broadcast %broadcast_in_dim3A_469 : i32 to vector<16xi32>
      %gather3A_471 = tpu.vector_load_idx %arg10[%add3A_272, %broadcast_in_dim3A_470] : memref<512x32xf32, #tpu.memory_space<vmem>>[vector<16xi32>, vector<16xi32>], vector<16xf32>,
      %gather3A_472 = tpu.vector_load_idx %arg11[%add3A_272, %broadcast_in_dim3A_470] : memref<512x32xf32, #tpu.memory_space<vmem>>[vector<16xi32>, vector<16xi32>], vector<16xf32>,
      %mul3A_473 = arith.mulf %gather3A_471, %gather3A_472 : vector<16xf32>
      %mul3A_474 = arith.mulf %mul3A_473, %gather3A_249 : vector<16xf32>
      %add3A_475 = arith.addf %add3A_468, %mul3A_474 : vector<16xf32>
      %broadcast_in_dim3A_476 = arith.constant 29 : i32
      %broadcast_in_dim3A_477 = vector.broadcast %broadcast_in_dim3A_476 : i32 to vector<16xi32>
      %gather3A_478 = tpu.vector_load_idx %arg10[%add3A_272, %broadcast_in_dim3A_477] : memref<512x32xf32, #tpu.memory_space<vmem>>[vector<16xi32>, vector<16xi32>], vector<16xf32>,
      %gather3A_479 = tpu.vector_load_idx %arg11[%add3A_272, %broadcast_in_dim3A_477] : memref<512x32xf32, #tpu.memory_space<vmem>>[vector<16xi32>, vector<16xi32>], vector<16xf32>,
      %mul3A_480 = arith.mulf %gather3A_478, %gather3A_479 : vector<16xf32>
      %mul3A_481 = arith.mulf %mul3A_480, %gather3A_252 : vector<16xf32>
      %add3A_482 = arith.addf %add3A_475, %mul3A_481 : vector<16xf32>
      %broadcast_in_dim3A_483 = arith.constant 30 : i32
      %broadcast_in_dim3A_484 = vector.broadcast %broadcast_in_dim3A_483 : i32 to vector<16xi32>
      %gather3A_485 = tpu.vector_load_idx %arg10[%add3A_272, %broadcast_in_dim3A_484] : memref<512x32xf32, #tpu.memory_space<vmem>>[vector<16xi32>, vector<16xi32>], vector<16xf32>,
      %gather3A_486 = tpu.vector_load_idx %arg11[%add3A_272, %broadcast_in_dim3A_484] : memref<512x32xf32, #tpu.memory_space<vmem>>[vector<16xi32>, vector<16xi32>], vector<16xf32>,
      %mul3A_487 = arith.mulf %gather3A_485, %gather3A_486 : vector<16xf32>
      %mul3A_488 = arith.mulf %mul3A_487, %gather3A_255 : vector<16xf32>
      %add3A_489 = arith.addf %add3A_482, %mul3A_488 : vector<16xf32>
      %broadcast_in_dim3A_490 = arith.constant 31 : i32
      %broadcast_in_dim3A_491 = vector.broadcast %broadcast_in_dim3A_490 : i32 to vector<16xi32>
      %gather3A_492 = tpu.vector_load_idx %arg10[%add3A_272, %broadcast_in_dim3A_491] : memref<512x32xf32, #tpu.memory_space<vmem>>[vector<16xi32>, vector<16xi32>], vector<16xf32>,
      %gather3A_493 = tpu.vector_load_idx %arg11[%add3A_272, %broadcast_in_dim3A_491] : memref<512x32xf32, #tpu.memory_space<vmem>>[vector<16xi32>, vector<16xi32>], vector<16xf32>,
      %mul3A_494 = arith.mulf %gather3A_492, %gather3A_493 : vector<16xf32>
      %mul3A_495 = arith.mulf %mul3A_494, %gather3A_258 : vector<16xf32>
      %add3A_496 = arith.addf %add3A_489, %mul3A_495 : vector<16xf32>
      %swap3A = arith.index_cast %add3A_270 : i32 to index
      %swap3A_497 = tpu.vector_load %arg13[%swap3A] {strides = array<i32>} : memref<512xf32, #tpu.memory_space<vmem>>, vector<16xf32>,
      tpu.vector_store %arg13[%swap3A], %add3A_496 {strides = array<i32>} : memref<512xf32, #tpu.memory_space<vmem>>, vector<16xf32>,
    }
    %scan3A_265 = arith.constant 32 : i32
    "tpu.region"() ({
      %run_scoped3A = tpu.sem_alloc : memref<!tpu.dma_semaphore, #tpu.memory_space<semaphore_mem>>
      %dma_start3A_266 = tpu.memref_slice %arg7[%mul3A_2] : memref<16384xf32, #tpu.memory_space<hbm>> -> memref<512xf32, #tpu.memory_space<hbm>>
      %dma_start3A_267 = tpu.memref_slice %arg7[%mul3A_2] : memref<16384xf32, #tpu.memory_space<hbm>> -> memref<512xf32, #tpu.memory_space<hbm>>
      tpu.enqueue_dma source(%arg13 : memref<512xf32, #tpu.memory_space<vmem>>) target(%dma_start3A_267 : memref<512xf32, #tpu.memory_space<hbm>>) target_semaphore(%run_scoped3A : memref<!tpu.dma_semaphore, #tpu.memory_space<semaphore_mem>>)
      %dma_wait3A_268 = tpu.memref_slice %arg7[%mul3A_2] : memref<16384xf32, #tpu.memory_space<hbm>> -> memref<512xf32, #tpu.memory_space<hbm>>
      %dma_wait3A_269 = tpu.memref_slice %arg7[%mul3A_2] : memref<16384xf32, #tpu.memory_space<hbm>> -> memref<512xf32, #tpu.memory_space<hbm>>
      tpu.wait_dma2 semaphore(%run_scoped3A : memref<!tpu.dma_semaphore, #tpu.memory_space<semaphore_mem>>) src(%arg13 : memref<512xf32, #tpu.memory_space<vmem>>) dst(%dma_wait3A_269 : memref<512xf32, #tpu.memory_space<hbm>>)
      tpu.yield
    }) : () -> ()
    return
  }
}

</mosaic_0001>

<sc_bundles>
// kernel: _gmf_sc.3.cloned.1.call-start
scs
__scs_entry_jumppad:
0x0: {  	(pc) =	sbr.rel $0x88, $3  }
0x1: {  	(tag) =	ssettag $0x0;
	lr =	simm.s32 $0x1  }
0x2: {  	[smem:$0x3F9C] =	sst lr;
	_ =	strace $0xD0000000  }
0x3: {  	_ = 	snop  }
0x4: {  	_ = 	snop  }
0x5: {  	_ = 	snop  }
0x6: {  	_ = 	snop  }
0x7: {  	_ = 	snop  }
__scs_overlays_trampoline_lowered:
0x8: {  	[smem:$0x3FAB] =	sst s0  }
0x9: {  	[smem:$0x3FAC] =	sst s1  }
0xa: {  	[smem:$0x3FAD] =	sst s2  }
0xb: {  	[smem:$0x3FAE] =	sst s3  }
0xc: {  	[smem:$0x3FAF] =	sst s4  }
0xd: {  	[smem:$0x3FB0] =	sst s5  }
0xe: {  	[smem:$0x3FB1] =	sst s6  }
0xf: {  	[smem:$0x3FB2] =	sst s7  }
0x10: {  	[smem:$0x3FB3] =	sst s8  }
0x11: {  	[smem:$0x3FB4] =	sst s9;
	s0 =	simm.s32 @!p0 $0x0  }
0x12: {  	s1 =	sld [smem:$0x3F9A];
	s0 =	simm.s32 @p0 $0x1  }
0x13: {  	[smem:$0x3FB5] =	sst s0;
	s0 =	simm.s32 @!p1 $0x0  }
0x14: {  	s2 =	sld [smem:$0x3F99];
	s0 =	simm.s32 @p1 $0x1  }
0x15: {  	[smem:$0x3FB6] =	sst s0;
	s0 =	simm.s32 @!p2 $0x0  }
0x16: {  	s3 =	sld [smem:$0x3FDB];
	s0 =	simm.s32 @p2 $0x1  }
0x17: {  	s4 =	simm.s32 $0x1BF5;
	[smem:$0x3FB8] =	sst s0  }
0x18: {  	s0 =	sld [smem:$0x3F9B];
	_ =	swait.ge [sflag:s4], $0x0  }
0x19: {  	s7 =	sld [smem:$0x3F9C]  }
0x1a: {  	s8 =	sadd.s32 $0xFFFFE003, lr  }
0x1b: {  	s9 =	sadd.s32 $0xFFFFFEF7, lr;
	s5 =	simm.s32 $0xFFFFFFFF;
	p2 =	slt.u32 s8, $0xFFFFF086  }
0x1c: {  	p1 =	slt.u32 s9, $0xF7A;
	s5 =	simm.s32 @!p2 $0x0  }
0x1d: {  	s5 =	simm.s32 @p1 $0x1;
	p0 =	seq.s32 s7, s2  }
0x1e: {  	s7 =	smul.u32 @!p0 $0xF7A, s2;
	p2 =	seq.s32 @!p0 s5, $0x0  }
0x1f: {  	s9 =	smul.u32 $0xF7A, s1;
	s8 =	simm.s32 @!p0 $0x1BF5;
	p2 =	por !p2, p0  }
0x20: {  	[sflag:s8] =	ssyncset.s32 @!p0 $0xFFFFF086;
	s6 =	sadd.s32 @!p0 s3, s7;
	s7 =	simm.s32 @!p0 $0x108  }
0x21: {  	s3 =	sadd.s32 s3, s9;
	s6 =	sadd.s32 @!p0 $0x88, s6;
	s7 =	simm.s32 @p2 $0x1082  }
0x22: {  	[simem:s7], [sflag:s8] =	dma.local @!p0 [hbm:s6], $0xF7A  }
0x23: {  	s9 =	sor.u32 $0xD0000000, s2;
	s6 =	simm.s32 $0x108;
	_ =	swait.ge @!p0 [sflag:s8], $0x0  }
0x24: {  	s3 =	sadd.s32 $0x88, s3;
	s6 =	simm.s32 @!p1 $0x1082;
	[sflag:s4] =	ssyncset.s32 $0xFFFFF086  }
0x25: {  	[simem:s6], [sflag:s4] =	dma.local [hbm:s3], $0xF7A  }
0x26: {  	[smem:$0x3F9C] =	sst s1;
	(tag) =	ssettag s2;
	_ =	strace s9  }
0x27: {  	s1 =	sld [smem:$0x3FAC]  }
0x28: {  	s2 =	sld [smem:$0x3FAD]  }
0x29: {  	s4 =	sld [smem:$0x3FAF]  }
0x2a: {  	p0 =	seq.s32 s5, $0x0;
	s5 =	sld [smem:$0x3FB0]  }
0x2b: {  	s6 =	sld [smem:$0x3FB1]  }
0x2c: {  	s7 =	sld [smem:$0x3FB2]  }
0x2d: {  	s3 =	simm.s32 $0x108;
	s8 =	sld [smem:$0x3FB3]  }
0x2e: {  	s3 =	simm.s32 @!p0 $0x1082;
	s9 =	sld [smem:$0x3FB4]  }
0x2f: {  	lr =	sadd.s32 s0, s3;
	s0 =	sld [smem:$0x3FAB]  }
0x30: {  	s3 =	sld [smem:$0x3FAE]  }
0x31: {  	[smem:$0x3FB7] =	sst s10  }
0x32: {  	s10 =	sld [smem:$0x3FB5];
	_ =	sdelay $0x3  }
0x33: {  	p0 =	seq.s32 s10, $0x1;
	s10 =	sld [smem:$0x3FB7];
	_ =	sdelay $0x3  }
0x34: {  	[smem:$0x3FB7] =	sst s10  }
0x35: {  	s10 =	sld [smem:$0x3FB6];
	_ =	sdelay $0x3  }
0x36: {  	p1 =	seq.s32 s10, $0x1;
	s10 =	sld [smem:$0x3FB7];
	_ =	sdelay $0x3  }
0x37: {  	[smem:$0x3FB7] =	sst s10  }
0x38: {  	s10 =	sld [smem:$0x3FB8]  }
0x39: {  	_ = 	snop;
	(pc) =	sbr.ind lr, $3  }
0x3a: {  	_ = 	snop  }
0x3b: {  	_ = 	snop  }
0x3c: {  	p2 =	seq.s32 s10, $0x1;
	s10 =	sld [smem:$0x3FB7]  }
0x3d: {  	_ =	shalt  }
0x3e: {  	_ =	shalt  }
0x3f: {  	_ =	shalt  }
0x40: {  	_ =	shalt  }
0x41: {  	_ =	shalt  }
0x42: {  	_ =	shalt  }
0x43: {  	_ =	shalt  }
0x44: {  	_ =	shalt  }
0x45: {  	_ =	shalt  }
0x46: {  	_ =	shalt  }
0x47: {  	_ =	shalt  }
0x48: {  	_ =	shalt  }
0x49: {  	_ =	shalt  }
0x4a: {  	_ =	shalt  }
0x4b: {  	_ =	shalt  }
0x4c: {  	_ =	shalt  }
0x4d: {  	_ =	shalt  }
0x4e: {  	_ =	shalt  }
0x4f: {  	_ =	shalt  }
0x50: {  	_ =	shalt  }
0x51: {  	_ =	shalt  }
0x52: {  	_ =	shalt  }
0x53: {  	_ =	shalt  }
0x54: {  	_ =	shalt  }
0x55: {  	_ =	shalt  }
0x56: {  	_ =	shalt  }
0x57: {  	_ =	shalt  }
0x58: {  	_ =	shalt  }
0x59: {  	_ =	shalt  }
0x5a: {  	_ =	shalt  }
0x5b: {  	_ =	shalt  }
0x5c: {  	_ =	shalt  }
0x5d: {  	_ =	shalt  }
0x5e: {  	_ =	shalt  }
0x5f: {  	_ =	shalt  }
0x60: {  	_ =	shalt  }
0x61: {  	_ =	shalt  }
0x62: {  	_ =	shalt  }
0x63: {  	_ =	shalt  }
0x64: {  	_ =	shalt  }
0x65: {  	_ =	shalt  }
0x66: {  	_ =	shalt  }
0x67: {  	_ =	shalt  }
0x68: {  	_ =	shalt  }
0x69: {  	_ =	shalt  }
0x6a: {  	_ =	shalt  }
0x6b: {  	_ =	shalt  }
0x6c: {  	_ =	shalt  }
0x6d: {  	_ =	shalt  }
0x6e: {  	_ =	shalt  }
0x6f: {  	_ =	shalt  }
0x70: {  	_ =	shalt  }
0x71: {  	_ =	shalt  }
0x72: {  	_ =	shalt  }
0x73: {  	_ =	shalt  }
0x74: {  	_ =	shalt  }
0x75: {  	_ =	shalt  }
0x76: {  	_ =	shalt  }
0x77: {  	_ =	shalt  }
0x78: {  	_ =	shalt  }
0x79: {  	_ =	shalt  }
0x7a: {  	_ =	shalt  }
0x7b: {  	_ =	shalt  }
0x7c: {  	_ =	shalt  }
0x7d: {  	_ =	shalt  }
0x7e: {  	_ =	shalt  }
0x7f: {  	_ =	shalt  }
0x80: {  	_ =	shalt  }
0x81: {  	_ =	shalt  }
0x82: {  	_ =	shalt  }
0x83: {  	_ =	shalt  }
0x84: {  	_ =	shalt  }
0x85: {  	_ =	shalt  }
0x86: {  	_ =	shalt  }
0x87: {  	_ =	shalt  }
.Lfunc_end0:
.L_simem_size_0:
called_computation_lowered:
.L_overlay_start_0:
0x88: {  	s2 =	sld [smem:$0x3FD9]  }
0x89: {  	s3 =	sld [smem:$0x3FFE];
	_ =	sdelay $0x1  }
0x8a: {  	s1 =	srdreg.scid  }
0x8b: {  	s0 =	sand.u32 $0x1, s1  }
0x8c: {  	s17 =	sshll.u32 s0, $0xA;
	s2 =	sadd.s32 s3, s2  }
0x8d: {  	s2 =	sadd.s32 s2, s17  }
0x8e: {  	[smem:$0x3FC3] =	sst s2  }
0x8f: {  	_ = 	snop  }
0x90: {  	s2 =	sld [smem:$0x3FC9]  }
0x91: {  	s18 =	sld [smem:$0x3FC8]  }
0x92: {  	s4 =	sld [smem:$0x3FC7]  }
0x93: {  	s5 =	sld [smem:$0x3FD0];
	(tm) =	ssettm $0x1  }
0x94: {  	s6 =	sld [smem:$0x3FFB];
	_ =	sdelay $0x3  }
0x95: {  	_ =	strace s6  }
0x96: {  	s6 =	sld [smem:$0x3FFC];
	_ =	sdelay $0x3  }
0x97: {  	_ =	strace s6  }
0x98: {  	s6 =	sld [smem:$0x3FFD];
	_ =	sdelay $0x3  }
0x99: {  	_ =	strace s6  }
0x9a: {  	_ =	strace $0x8FFFFFFF  }
0x9b: {  	s19 =	sld [smem:$0x3FDB];
	_ =	sdelay $0x1  }
0x9c: {  	s7 =	simm.s32 $_scs_section_size  }
0x9d: {  	s8 =	simm.s32 $_size__tile_overlayer_lowered;
	s9 =	simm.s32 $_tile_overlayer_lowered  }
0x9e: {  	s22 =	simm.s32 $0x1BFF;
	s21 =	sshll.u32 s9, $0x1;
	s6 =	sadd.s32 s7, s19  }
0x9f: {  	s10 =	simm.s32 $0x0;
	s20 =	sshll.u32 s8, $0x1;
	s8 =	sadd.s32 s21, s6  }
0xa0: {  	[timem:s10], [sflag:s22] =	dma.local [hbm:s8], s20  }
0xa1: {  	_ =	swait.ge [sflag:s22], s20  }
0xa2: {  	s7 =	ssub.s32 $0x0, s20;
	[sflag:s22] =	ssyncset.done $0x0  }
0xa3: {  	[sflag:s22] =	ssyncadd.s32 s7;
	_ =	sdelay $0x1  }
0xa4: {  	s23 =	simm.s32 $0x1B8B  }
0xa5: {  	_ =	swait.ge [sflag:s23], $0x1  }
0xa6: {  	[sflag:s23] =	ssyncset.done $0x0  }
0xa7: {  	s25 =	simm.s32 $0x1B8E;
	s24 =	sld [smem:$0x3FFE];
	[sflag:s23] =	ssyncadd.s32 $0xFFFFFFFF  }
0xa8: {  	s26 =	simm.s32 $execute0_lowered;
	[smem:$0x3FD2] =	sst s25  }
0xa9: {  	s8 =	sshll.u32 s26, $0x1;
	_ =	strace $0x80000046;
	[dreg:$0x1] =	wrdreg $0xFFFFFFFF  }
0xaa: {  	s28 =	simm.s32 $_size_execute0_lowered;
	s6 =	sadd.s32 s6, s8;
	[dreg:$0x0] =	wrdreg $0x0  }
0xab: {  	s8 =	sshll.u32 s28, $0x1;
	[dreg:$0x2] =	wrdreg s6  }
0xac: {  	[dreg:$0x3] =	wrdreg s8  }
0xad: {  	[dreg:$0x4] =	wrdreg $0xC0  }
0xae: {  	_ =	task [dreg:s10], $0x5FFFF  }
0xaf: {  	[dreg:$0x1] =	wrdreg $0xFFFFFFFF  }
0xb0: {  	[dreg:$0x0] =	wrdreg $0x60  }
0xb1: {  	[dreg:$0x2] =	wrdreg s2  }
0xb2: {  	[dreg:$0x3] =	wrdreg s18  }
0xb3: {  	[dreg:$0x4] =	wrdreg s4  }
0xb4: {  	[dreg:$0x5] =	wrdreg s24  }
0xb5: {  	[dreg:$0x6] =	wrdreg s5  }
0xb6: {  	[dreg:$0x7] =	wrdreg $0x9  }
0xb7: {  	_ =	task.clear_ibuf [dreg:s10], $0x8FFFF;
	_ =	strace $0x90000046  }
0xb8: {  	s29 =	simm.s32 $0x9;
	_ =	strace $0x80000048  }
0xb9: {  	_ =	swait.ge [sflag:s29], $0x1  }
0xba: {  	[sflag:s29] =	ssyncadd.s32 $0xFFFFFFFF  }
0xbb: {  	_ =	strace $0x90000048  }
0xbc: {  	_ =	sfence  }
0xbd: {  	s30 =	sld [smem:$0x0];
	_ =	sdelay $0x2  }
0xbe: {  	s31 =	sshll.u32 s1, $0xD;
	s1 =	sshrl.u32 s1, $0x2  }
0xbf: {  	s3 =	sand.u32 $0x4000, s31;
	s1 =	sadd.s32 s1, s30  }
0xc0: {  	s0 =	sor.u32 s3, s0;
	s1 =	sshll.u32 s1, $0x11  }
0xc1: {  	s0 =	sor.u32 s1, s0  }
0xc2: {  	s0 =	sadd.s32 $0x8F2B, s0  }
0xc3: {  	[sflag:s0] =	ssyncadd.remote.s32 $0x1  }
0xc4: {  	_ =	sfence.sel $0xFFFF  }
0xc5: {  	[dreg:$0x0] =	wrdreg $0xFFFFFFFF;
	(pc) =	sbr.abs _section_cstart, $3  }
0xc6: {  	[dreg:$0x1] =	wrdreg $0xFFFFFFFF  }
0xc7: {  	_ =	task.clear_ibuf [dreg:s10], $0x2FFFF;
	_ =	strace $0x9FFFFFFF  }
0xc8: {  	(tm) =	ssettm $0x7FFFFFFF  }
0xc9: {  	_ =	shalt  }
tec
execute0_lowered:
.L_overlay_start_1:
0x0: {  	(tag) =	ssettag $0x1  }
0x1: {  	s0 =	rddreg [dreg:$0x0]  }
0x2: {  	s2 =	rddreg [dreg:$0x1]  }
0x3: {  	s1 =	rddreg [dreg:$0x2]  }
0x4: {  	s5 =	rddreg [dreg:$0x3]  }
0x5: {  	s8 =	rddreg [dreg:$0x4]  }
0x6: {  	s3 =	simm.s32 $0x0;
	s4 =	srdreg.scid;
	s7 =	stileid.u32  }
0x7: {  	s11 =	simm.s32 $0x200;
	s12 =	simm.s32 $0x8400;
	s13 =	simm.s32 $0x80  }
0x8: {  	s14 =	simm.s32 $0x400;
	s15 =	simm.s32 $0x4400;
	s16 =	simm.s32 $0x1400  }
0x9: {  	s17 =	simm.s32 $0x280;
	s18 =	simm.s32 $0x5400;
	s19 =	simm.s32 $0x100  }
0xa: {  	s20 =	simm.s32 $0x2400;
	s21 =	simm.s32 $0x300;
	s22 =	simm.s32 $0x6400  }
0xb: {  	s23 =	simm.s32 $0x180;
	s24 =	simm.s32 $0x3400;
	s25 =	simm.s32 $0x380  }
0xc: {  	s26 =	simm.s32 $0x7400;
	s28 =	simm.s32 $0x1;
	s29 =	simm.s32 $0x2  }
0xd: {  	v18 =	vimm.s32 $0x22;
	v19 =	vimm.s32 $0x23;
	s30 =	simm.s32 $0x8440;
	s31 =	simm.s32 $0x0;
	[smem:$0x7FF] =	sst s3  }
0xe: {  	v20 =	vimm.s32 $0x24;
	v21 =	vimm.s32 $0x25;
	v22 =	vimm.s32 $0x26;
	s4 =	sand.u32 $0x1, s4;
	s7 =	sshll.u32 s7, $0x7;
	_ =	strace $0x80000047  }
0xf: {  	v23 =	vimm.s32 $0x27;
	v24 =	vimm.s32 $0x28;
	v25 =	vimm.s32 $0x29;
	s6 =	ssub.s32 $0x2, s4;
	s9 =	sshll.u32 s4, $0x6;
	s4 =	sadd.s32 $0xF42800, s5  }
0x10: {  	v26 =	vimm.s32 $0x2A;
	v27 =	vimm.s32 $0x2B;
	v0 =	vlaneseq.u32;
	s5 =	sadd.s32 $0x1313200, s5;
	s10 =	sshrl.u32 s6, $0x1;
	s9 =	sor.u32 s9, s7  }
0x11: {  	v28 =	vimm.s32 $0x2C;
	v29 =	vimm.s32 $0x2D;
	v33 =	vmul.u32 $0x20, v0;
	s10 =	ssub.s32 s6, s10;
	s6 =	sadd.s32 s0, s9;
	s7 =	sadd.s32 s2, s9  }
0x12: {  	v30 =	vimm.s32 $0x2E;
	v31 =	vimm.s32 $0x2F;
	v32 =	vimm.s32 $0x30;
	s8 =	sadd.s32 s8, s9;
	s9 =	smax.u32 s10, $0x1;
	s10 =	simm.s32 $0x3  }
.LBB2_1:
0x13: {  	[tilespmem:s3], [sflag:$0x3] =	stream.linear.gather [hbm4b:s6+s3], $0x200, $0x38;
	[tilespmem:$0x8640] =	vst v63  }
0x14: {  	_ =	swait.ge [sflag:s10], $0x200  }
0x15: {  	[sflag:s10] =	ssyncset.done $0x0  }
0x16: {  	[sflag:s10] =	ssyncadd.s32 $0xFFFFFE00  }
0x17: {  	[tilespmem:s11], [sflag:$0x3] =	stream.linear.gather [hbm4b:s7+s3], $0x200, $0x38;
	[tilespmem:$0x8640] =	vst v63  }
0x18: {  	_ =	swait.ge [sflag:s10], $0x200  }
0x19: {  	[sflag:s10] =	ssyncset.done $0x0  }
0x1a: {  	[sflag:s10] =	ssyncadd.s32 $0xFFFFFE00  }
0x1b: {  	[tilespmem:s12], [sflag:$0x3] =	stream.linear.gather [hbm4b:s1+s3], $0x40, $0x38;
	[tilespmem:$0x8640] =	vst v63  }
0x1c: {  	_ =	swait.ge [sflag:s10], $0x40  }
0x1d: {  	[sflag:s10] =	ssyncset.done $0x0  }
0x1e: {  	[sflag:s10] =	ssyncadd.s32 $0xFFFFFFC0  }
0x1f: {  	[tilespmem:s14], [sflag:$0x1] =	stream.indirect.gather [hbm4b:s4+s13], $0x20, s3, s13, $0xb8;
	[tilespmem:$0x8640] =	vst v63  }
0x20: {  	_ = 	snop  }
0x21: {  	[tilespmem:s15], [sflag:$0x2] =	stream.indirect.gather [hbm4b:s5+s13], $0x20, s11, s13, $0xb8;
	[tilespmem:$0x8640] =	vst v63  }
0x22: {  	_ = 	snop  }
0x23: {  	[tilespmem:s16], [sflag:$0x1] =	stream.indirect.gather [hbm4b:s4+s13], $0x20, s13, s13, $0xb8;
	[tilespmem:$0x8640] =	vst v63  }
0x24: {  	_ = 	snop  }
0x25: {  	[tilespmem:s18], [sflag:$0x2] =	stream.indirect.gather [hbm4b:s5+s13], $0x20, s17, s13, $0xb8;
	[tilespmem:$0x8640] =	vst v63  }
0x26: {  	_ = 	snop  }
0x27: {  	[tilespmem:s20], [sflag:$0x1] =	stream.indirect.gather [hbm4b:s4+s13], $0x20, s19, s13, $0xb8;
	[tilespmem:$0x8640] =	vst v63  }
0x28: {  	_ = 	snop  }
0x29: {  	[tilespmem:s22], [sflag:$0x2] =	stream.indirect.gather [hbm4b:s5+s13], $0x20, s21, s13, $0xb8;
	[tilespmem:$0x8640] =	vst v63  }
0x2a: {  	_ = 	snop  }
0x2b: {  	[tilespmem:s24], [sflag:$0x1] =	stream.indirect.gather [hbm4b:s4+s13], $0x20, s23, s13, $0xb8;
	[tilespmem:$0x8640] =	vst v63  }
0x2c: {  	_ = 	snop  }
0x2d: {  	[tilespmem:s26], [sflag:$0x2] =	stream.indirect.gather [hbm4b:s5+s13], $0x20, s25, s13, $0xb8;
	[tilespmem:$0x8640] =	vst v63  }
0x2e: {  	_ =	swait.ge [sflag:s28], $0x1000  }
0x2f: {  	[sflag:s28] =	ssyncset.done $0x0  }
0x30: {  	[sflag:s28] =	ssyncadd.s32 $0xFFFFF000  }
0x31: {  	_ =	swait.ge [sflag:s29], $0x1000  }
0x32: {  	[sflag:s29] =	ssyncset.done $0x0  }
0x33: {  	[sflag:s29] =	ssyncadd.s32 $0xFFFFF000  }
0x34: {  	_ =	swait.ge [sflag:s28], $0x1000  }
0x35: {  	[sflag:s28] =	ssyncset.done $0x0  }
0x36: {  	[sflag:s28] =	ssyncadd.s32 $0xFFFFF000  }
0x37: {  	_ =	swait.ge [sflag:s29], $0x1000  }
0x38: {  	[sflag:s29] =	ssyncset.done $0x0  }
0x39: {  	[sflag:s29] =	ssyncadd.s32 $0xFFFFF000  }
0x3a: {  	_ =	swait.ge [sflag:s28], $0x1000  }
0x3b: {  	[sflag:s28] =	ssyncset.done $0x0  }
0x3c: {  	[sflag:s28] =	ssyncadd.s32 $0xFFFFF000  }
0x3d: {  	_ =	swait.ge [sflag:s29], $0x1000  }
0x3e: {  	[sflag:s29] =	ssyncset.done $0x0  }
0x3f: {  	[sflag:s29] =	ssyncadd.s32 $0xFFFFF000  }
0x40: {  	_ =	swait.ge [sflag:s28], $0x1000  }
0x41: {  	v1 =	vimm.s32 $0x11;
	[sflag:s28] =	ssyncset.done $0x0  }
0x42: {  	[sflag:s28] =	ssyncadd.s32 $0xFFFFF000  }
0x43: {  	_ =	swait.ge [sflag:s29], $0x1000  }
0x44: {  	[sflag:s29] =	ssyncset.done $0x0  }
0x45: {  	[sflag:s29] =	ssyncadd.s32 $0xFFFFF000  }
0x46: {  	v63 =	vld.idx.msk [tilespmem:v1+s12+$0x0], $0xffff;
	v1 =	vimm.s32 $0x12;
	_ =	sdelay $0x4  }
0x47: {  	v62 =	vld.idx.msk [tilespmem:v1+s12+$0x0], $0xffff;
	v1 =	vimm.s32 $0x13;
	_ =	sdelay $0x4  }
0x48: {  	v61 =	vld.idx.msk [tilespmem:v1+s12+$0x0], $0xffff;
	v1 =	vimm.s32 $0x14;
	_ =	sdelay $0x4  }
0x49: {  	v60 =	vld.idx.msk [tilespmem:v1+s12+$0x0], $0xffff;
	v1 =	vimm.s32 $0x15;
	_ =	sdelay $0x4  }
0x4a: {  	v59 =	vld.idx.msk [tilespmem:v1+s12+$0x0], $0xffff;
	v1 =	vimm.s32 $0x16;
	_ =	sdelay $0x4  }
0x4b: {  	v58 =	vld.idx.msk [tilespmem:v1+s12+$0x0], $0xffff;
	v1 =	vimm.s32 $0x17;
	_ =	sdelay $0x4  }
0x4c: {  	v57 =	vld.idx.msk [tilespmem:v1+s12+$0x0], $0xffff;
	v1 =	vimm.s32 $0x18;
	_ =	sdelay $0x4  }
0x4d: {  	v56 =	vld.idx.msk [tilespmem:v1+s12+$0x0], $0xffff;
	v1 =	vimm.s32 $0x19;
	_ =	sdelay $0x4  }
0x4e: {  	v55 =	vld.idx.msk [tilespmem:v1+s12+$0x0], $0xffff;
	v1 =	vimm.s32 $0x1A;
	_ =	sdelay $0x4  }
0x4f: {  	v54 =	vld.idx.msk [tilespmem:v1+s12+$0x0], $0xffff;
	v1 =	vimm.s32 $0x1B;
	_ =	sdelay $0x4  }
0x50: {  	v53 =	vld.idx.msk [tilespmem:v1+s12+$0x0], $0xffff;
	v1 =	vimm.s32 $0x1C;
	_ =	sdelay $0x4  }
0x51: {  	v52 =	vld.idx.msk [tilespmem:v1+s12+$0x0], $0xffff;
	v1 =	vimm.s32 $0x1D;
	_ =	sdelay $0x4  }
0x52: {  	v51 =	vld.idx.msk [tilespmem:v1+s12+$0x0], $0xffff;
	v1 =	vimm.s32 $0x1E;
	_ =	sdelay $0x3  }
0x53: {  	v0 =	vimm.s32 $0x10  }
0x54: {  	v50 =	vld.idx.msk [tilespmem:v1+s12+$0x0], $0xffff;
	v1 =	vimm.s32 $0x1F;
	_ =	sdelay $0x3  }
0x55: {  	v0 =	vld.idx.msk [tilespmem:v0+s12+$0x0], $0xffff  }
0x56: {  	v49 =	vld.idx.msk [tilespmem:v1+s12+$0x0], $0xffff;
	v1 =	vimm.s32 $0x20  }
0x57: {  	v46 =	vld.idx.msk [tilespmem:v18+s12+$0x0], $0xffff  }
0x58: {  	v45 =	vld.idx.msk [tilespmem:v19+s12+$0x0], $0xffff  }
0x59: {  	v44 =	vld.idx.msk [tilespmem:v20+s12+$0x0], $0xffff  }
0x5a: {  	v43 =	vld.idx.msk [tilespmem:v21+s12+$0x0], $0xffff  }
0x5b: {  	v48 =	vld.idx.msk [tilespmem:v1+s12+$0x0], $0xffff;
	v1 =	vimm.s32 $0x21  }
0x5c: {  	v42 =	vld.idx.msk [tilespmem:v22+s12+$0x0], $0xffff  }
0x5d: {  	v41 =	vld.idx.msk [tilespmem:v23+s12+$0x0], $0xffff  }
0x5e: {  	v40 =	vld.idx.msk [tilespmem:v24+s12+$0x0], $0xffff  }
0x5f: {  	v39 =	vld.idx.msk [tilespmem:v25+s12+$0x0], $0xffff  }
0x60: {  	v47 =	vld.idx.msk [tilespmem:v1+s12+$0x0], $0xffff;
	v1 =	vmov s3  }
0x61: {  	v38 =	vld.idx.msk [tilespmem:v26+s12+$0x0], $0xffff;
	v1 =	vshll.u32 v1, $0x5  }
0x62: {  	v37 =	vld.idx.msk [tilespmem:v27+s12+$0x0], $0xffff;
	v2 =	vor.u32 v33, v1  }
0x63: {  	v36 =	vld.idx.msk [tilespmem:v28+s12+$0x0], $0xffff  }
0x64: {  	v35 =	vld.idx.msk [tilespmem:v29+s12+$0x0], $0xffff;
	v3 =	vor.u32 $0x1, v2  }
0x65: {  	v34 =	vld.idx.msk [tilespmem:v30+s12+$0x0], $0xffff  }
0x66: {  	v1 =	vld.idx.msk [tilespmem:v32+s12+$0x0], $0xffff;
	v4 =	vor.u32 $0x2, v2  }
0x67: {  	v5 =	vld.idx.msk [tilespmem:v2+s15+$0x0], $0xffff  }
0x68: {  	v7 =	vor.u32 $0x3, v2;
	v6 =	vld.idx.msk [tilespmem:v2+s14+$0x0], $0xffff  }
0x69: {  	v8 =	vld.idx.msk [tilespmem:v3+s14+$0x0], $0xffff  }
0x6a: {  	v9 =	vor.u32 $0x4, v2;
	v3 =	vld.idx.msk [tilespmem:v3+s15+$0x0], $0xffff  }
0x6b: {  	v10 =	vld.idx.msk [tilespmem:v4+s14+$0x0], $0xffff  }
0x6c: {  	v11 =	vor.u32 $0x5, v2;
	v4 =	vld.idx.msk [tilespmem:v4+s15+$0x0], $0xffff  }
0x6d: {  	v12 =	vld.idx.msk [tilespmem:v7+s14+$0x0], $0xffff;
	v5 =	vmul.f32 v5, v6  }
0x6e: {  	v6 =	vld.idx.msk [tilespmem:v7+s15+$0x0], $0xffff;
	v7 =	vor.u32 $0x6, v2  }
0x6f: {  	v13 =	vld.idx.msk [tilespmem:v9+s14+$0x0], $0xffff;
	v3 =	vmul.f32 v3, v8;
	v5 =	vmul.f32 v5, v0  }
0x70: {  	v8 =	vld.idx.msk [tilespmem:v9+s15+$0x0], $0xffff;
	v9 =	vor.u32 $0x7, v2  }
0x71: {  	v14 =	vld.idx.msk [tilespmem:v11+s14+$0x0], $0xffff;
	v4 =	vmul.f32 v4, v10;
	v3 =	vmul.f32 v3, v63;
	v5 =	vadd.f32 v5, v1  }
0x72: {  	v11 =	vld.idx.msk [tilespmem:v11+s15+$0x0], $0xffff;
	v10 =	vor.u32 $0x8, v2  }
0x73: {  	v4 =	vmul.f32 v4, v62;
	v6 =	vmul.f32 v6, v12;
	v3 =	vadd.f32 v3, v5;
	v5 =	vld.idx.msk [tilespmem:v7+s14+$0x0], $0xffff  }
0x74: {  	v12 =	vor.u32 $0x9, v2;
	v7 =	vld.idx.msk [tilespmem:v7+s15+$0x0], $0xffff  }
0x75: {  	v8 =	vmul.f32 v8, v13;
	v6 =	vmul.f32 v6, v61;
	v3 =	vadd.f32 v4, v3;
	v4 =	vld.idx.msk [tilespmem:v9+s14+$0x0], $0xffff  }
0x76: {  	v13 =	vor.u32 $0xA, v2;
	v9 =	vld.idx.msk [tilespmem:v9+s15+$0x0], $0xffff  }
0x77: {  	v11 =	vmul.f32 v11, v14;
	v8 =	vmul.f32 v8, v60;
	v3 =	vadd.f32 v6, v3;
	v6 =	vld.idx.msk [tilespmem:v10+s14+$0x0], $0xffff  }
0x78: {  	v14 =	vor.u32 $0xB, v2;
	v10 =	vld.idx.msk [tilespmem:v10+s15+$0x0], $0xffff  }
0x79: {  	v11 =	vmul.f32 v11, v59;
	v5 =	vmul.f32 v7, v5;
	v3 =	vadd.f32 v8, v3;
	v8 =	vld.idx.msk [tilespmem:v12+s14+$0x0], $0xffff  }
0x7a: {  	v7 =	vor.u32 $0xC, v2;
	v12 =	vld.idx.msk [tilespmem:v12+s15+$0x0], $0xffff  }
0x7b: {  	v5 =	vmul.f32 v5, v58;
	v4 =	vmul.f32 v9, v4;
	v3 =	vadd.f32 v11, v3;
	v11 =	vld.idx.msk [tilespmem:v13+s14+$0x0], $0xffff  }
0x7c: {  	v9 =	vor.u32 $0xD, v2;
	v13 =	vld.idx.msk [tilespmem:v13+s15+$0x0], $0xffff  }
0x7d: {  	v4 =	vmul.f32 v4, v57;
	v6 =	vmul.f32 v10, v6;
	v3 =	vadd.f32 v5, v3;
	v5 =	vld.idx.msk [tilespmem:v14+s14+$0x0], $0xffff  }
0x7e: {  	v10 =	vor.u32 $0xE, v2;
	v14 =	vld.idx.msk [tilespmem:v14+s15+$0x0], $0xffff  }
0x7f: {  	v6 =	vmul.f32 v6, v56;
	v8 =	vmul.f32 v12, v8;
	v3 =	vadd.f32 v4, v3;
	v4 =	vld.idx.msk [tilespmem:v7+s14+$0x0], $0xffff  }
0x80: {  	v12 =	vor.u32 $0xF, v2;
	v7 =	vld.idx.msk [tilespmem:v7+s15+$0x0], $0xffff  }
0x81: {  	v8 =	vmul.f32 v8, v55;
	v11 =	vmul.f32 v13, v11;
	v3 =	vadd.f32 v6, v3;
	v6 =	vld.idx.msk [tilespmem:v9+s14+$0x0], $0xffff  }
0x82: {  	v13 =	vor.u32 $0x10, v2;
	v9 =	vld.idx.msk [tilespmem:v9+s15+$0x0], $0xffff  }
0x83: {  	v11 =	vmul.f32 v11, v54;
	v5 =	vmul.f32 v14, v5;
	v3 =	vadd.f32 v8, v3;
	v8 =	vld.idx.msk [tilespmem:v10+s14+$0x0], $0xffff  }
0x84: {  	v14 =	vor.u32 $0x11, v2;
	v10 =	vld.idx.msk [tilespmem:v10+s15+$0x0], $0xffff  }
0x85: {  	v5 =	vmul.f32 v5, v53;
	v4 =	vmul.f32 v7, v4;
	v3 =	vadd.f32 v11, v3;
	v11 =	vld.idx.msk [tilespmem:v12+s14+$0x0], $0xffff  }
0x86: {  	v7 =	vor.u32 $0x12, v2;
	v12 =	vld.idx.msk [tilespmem:v12+s15+$0x0], $0xffff  }
0x87: {  	v4 =	vmul.f32 v4, v52;
	v6 =	vmul.f32 v9, v6;
	v3 =	vadd.f32 v5, v3;
	v5 =	vld.idx.msk [tilespmem:v13+s14+$0x0], $0xffff  }
0x88: {  	v9 =	vor.u32 $0x13, v2;
	v13 =	vld.idx.msk [tilespmem:v13+s15+$0x0], $0xffff  }
0x89: {  	v6 =	vmul.f32 v6, v51;
	v8 =	vmul.f32 v10, v8;
	v3 =	vadd.f32 v4, v3;
	v4 =	vld.idx.msk [tilespmem:v14+s14+$0x0], $0xffff  }
0x8a: {  	v10 =	vor.u32 $0x14, v2;
	v14 =	vld.idx.msk [tilespmem:v14+s15+$0x0], $0xffff  }
0x8b: {  	v8 =	vmul.f32 v8, v50;
	v11 =	vmul.f32 v12, v11;
	v3 =	vadd.f32 v6, v3;
	v6 =	vld.idx.msk [tilespmem:v7+s14+$0x0], $0xffff  }
0x8c: {  	v12 =	vor.u32 $0x15, v2;
	v7 =	vld.idx.msk [tilespmem:v7+s15+$0x0], $0xffff  }
0x8d: {  	v11 =	vmul.f32 v11, v49;
	v5 =	vmul.f32 v13, v5;
	v3 =	vadd.f32 v8, v3;
	v8 =	vld.idx.msk [tilespmem:v9+s14+$0x0], $0xffff  }
0x8e: {  	v13 =	vor.u32 $0x16, v2;
	v9 =	vld.idx.msk [tilespmem:v9+s15+$0x0], $0xffff  }
0x8f: {  	v5 =	vmul.f32 v5, v48;
	v4 =	vmul.f32 v14, v4;
	v3 =	vadd.f32 v11, v3;
	v11 =	vld.idx.msk [tilespmem:v10+s14+$0x0], $0xffff  }
0x90: {  	v14 =	vor.u32 $0x17, v2;
	v10 =	vld.idx.msk [tilespmem:v10+s15+$0x0], $0xffff  }
0x91: {  	v4 =	vmul.f32 v4, v47;
	v6 =	vmul.f32 v7, v6;
	v3 =	vadd.f32 v5, v3;
	v5 =	vld.idx.msk [tilespmem:v12+s14+$0x0], $0xffff  }
0x92: {  	v7 =	vor.u32 $0x18, v2;
	v12 =	vld.idx.msk [tilespmem:v12+s15+$0x0], $0xffff  }
0x93: {  	v6 =	vmul.f32 v6, v46;
	v8 =	vmul.f32 v9, v8;
	v3 =	vadd.f32 v4, v3;
	v4 =	vld.idx.msk [tilespmem:v13+s14+$0x0], $0xffff  }
0x94: {  	v9 =	vor.u32 $0x19, v2;
	v13 =	vld.idx.msk [tilespmem:v13+s15+$0x0], $0xffff  }
0x95: {  	v8 =	vmul.f32 v8, v45;
	v10 =	vmul.f32 v10, v11;
	v3 =	vadd.f32 v6, v3;
	v6 =	vld.idx.msk [tilespmem:v14+s14+$0x0], $0xffff  }
0x96: {  	v11 =	vor.u32 $0x1A, v2;
	v14 =	vld.idx.msk [tilespmem:v14+s15+$0x0], $0xffff  }
0x97: {  	v10 =	vmul.f32 v10, v44;
	v5 =	vmul.f32 v12, v5;
	v3 =	vadd.f32 v8, v3;
	v8 =	vld.idx.msk [tilespmem:v7+s14+$0x0], $0xffff  }
0x98: {  	v12 =	vor.u32 $0x1B, v2;
	v7 =	vld.idx.msk [tilespmem:v7+s15+$0x0], $0xffff  }
0x99: {  	v5 =	vmul.f32 v5, v43;
	v4 =	vmul.f32 v13, v4;
	v3 =	vadd.f32 v10, v3;
	v10 =	vld.idx.msk [tilespmem:v9+s14+$0x0], $0xffff  }
0x9a: {  	v13 =	vor.u32 $0x1C, v2;
	v9 =	vld.idx.msk [tilespmem:v9+s15+$0x0], $0xffff  }
0x9b: {  	v4 =	vmul.f32 v4, v42;
	v6 =	vmul.f32 v14, v6;
	v3 =	vadd.f32 v5, v3;
	v5 =	vld.idx.msk [tilespmem:v11+s14+$0x0], $0xffff  }
0x9c: {  	v14 =	vor.u32 $0x1D, v2;
	v11 =	vld.idx.msk [tilespmem:v11+s15+$0x0], $0xffff  }
0x9d: {  	v6 =	vmul.f32 v6, v41;
	v7 =	vmul.f32 v7, v8;
	v3 =	vadd.f32 v4, v3;
	v4 =	vld.idx.msk [tilespmem:v12+s14+$0x0], $0xffff  }
0x9e: {  	v8 =	vor.u32 $0x1E, v2;
	v12 =	vld.idx.msk [tilespmem:v12+s15+$0x0], $0xffff  }
0x9f: {  	v7 =	vmul.f32 v7, v40;
	v9 =	vmul.f32 v9, v10;
	v10 =	vld.idx.msk [tilespmem:v13+s15+$0x0], $0xffff;
	v3 =	vadd.f32 v6, v3  }
0xa0: {  	v2 =	vor.u32 $0x1F, v2;
	v6 =	vld.idx.msk [tilespmem:v13+s14+$0x0], $0xffff  }
0xa1: {  	v13 =	vld.idx.msk [tilespmem:v14+s14+$0x0], $0xffff;
	v5 =	vmul.f32 v11, v5;
	v3 =	vadd.f32 v7, v3;
	v7 =	vmul.f32 v9, v39  }
0xa2: {  	v14 =	vld.idx.msk [tilespmem:v14+s15+$0x0], $0xffff  }
0xa3: {  	v15 =	vld.idx.msk [tilespmem:v8+s14+$0x0], $0xffff;
	v5 =	vmul.f32 v5, v38;
	v4 =	vmul.f32 v12, v4;
	v3 =	vadd.f32 v7, v3  }
0xa4: {  	v7 =	vld.idx.msk [tilespmem:v8+s15+$0x0], $0xffff  }
0xa5: {  	v8 =	vld.idx.msk [tilespmem:v2+s14+$0x0], $0xffff;
	v4 =	vmul.f32 v4, v37;
	v3 =	vadd.f32 v5, v3;
	v5 =	vmul.f32 v10, v6  }
0xa6: {  	v6 =	vld.idx.msk [tilespmem:v2+s15+$0x0], $0xffff  }
0xa7: {  	v3 =	vadd.f32 v4, v3;
	v4 =	vmul.f32 v5, v36;
	v5 =	vmul.f32 v14, v13  }
0xa8: {  	v2 =	vld.idx.msk [tilespmem:v31+s12+$0x0], $0xffff  }
0xa9: {  	s0 =	simm.s32 $0x10;
	v3 =	vadd.f32 v4, v3;
	v4 =	vmul.f32 v5, v35;
	v5 =	vmul.f32 v7, v15  }
0xaa: {  	v7 =	vmov s0  }
0xab: {  	v6 =	vmul.f32 v6, v8;
	v4 =	vadd.f32 v4, v3;
	v5 =	vmul.f32 v5, v34  }
0xac: {  	v3 =	vshll.u32 v7, $0x5  }
0xad: {  	v3 =	vor.u32 v33, v3;
	v4 =	vadd.f32 v5, v4;
	v5 =	vmul.f32 v6, v2;
	_ =	sdelay $0x1  }
0xae: {  	v6 =	vor.u32 $0x1, v3;
	v4 =	vadd.f32 v5, v4;
	_ =	sdelay $0x1  }
0xaf: {  	v8 =	vor.u32 $0x3, v3;
	[tilespmem:s30+$0x0] =	vst v4  }
0xb0: {  	v4 =	vor.u32 $0x2, v3;
	v5 =	vld.idx.msk [tilespmem:v3+s15+$0x0], $0xffff  }
0xb1: {  	v7 =	vld.idx.msk [tilespmem:v3+s14+$0x0], $0xffff  }
0xb2: {  	v9 =	vld.idx.msk [tilespmem:v6+s14+$0x0], $0xffff  }
0xb3: {  	v10 =	vor.u32 $0x4, v3;
	v6 =	vld.idx.msk [tilespmem:v6+s15+$0x0], $0xffff  }
0xb4: {  	v12 =	vld.idx.msk [tilespmem:v8+s14+$0x0], $0xffff  }
0xb5: {  	v11 =	vld.idx.msk [tilespmem:v4+s14+$0x0], $0xffff  }
0xb6: {  	v4 =	vld.idx.msk [tilespmem:v4+s15+$0x0], $0xffff;
	v5 =	vmul.f32 v5, v7;
	v7 =	vor.u32 $0x5, v3  }
0xb7: {  	v8 =	vld.idx.msk [tilespmem:v8+s15+$0x0], $0xffff  }
0xb8: {  	v13 =	vld.idx.msk [tilespmem:v10+s14+$0x0], $0xffff  }
0xb9: {  	v10 =	vld.idx.msk [tilespmem:v10+s15+$0x0], $0xffff;
	v6 =	vmul.f32 v6, v9;
	v9 =	vor.u32 $0x6, v3;
	v5 =	vmul.f32 v5, v0  }
0xba: {  	v14 =	vor.u32 $0x7, v3  }
0xbb: {  	v6 =	vmul.f32 v6, v63;
	v5 =	vadd.f32 v5, v1;
	v4 =	vmul.f32 v4, v11;
	v11 =	vld.idx.msk [tilespmem:v7+s14+$0x0], $0xffff  }
0xbc: {  	v8 =	vmul.f32 v8, v12;
	v7 =	vld.idx.msk [tilespmem:v7+s15+$0x0], $0xffff  }
0xbd: {  	v5 =	vadd.f32 v6, v5;
	v6 =	vor.u32 $0x8, v3;
	v4 =	vmul.f32 v4, v62  }
0xbe: {  	v10 =	vmul.f32 v10, v13;
	v12 =	vld.idx.msk [tilespmem:v9+s14+$0x0], $0xffff  }
0xbf: {  	v9 =	vld.idx.msk [tilespmem:v9+s15+$0x0], $0xffff;
	v4 =	vadd.f32 v4, v5;
	v5 =	vmul.f32 v8, v61;
	v8 =	vor.u32 $0x9, v3  }
0xc0: {  	v13 =	vld.idx.msk [tilespmem:v14+s14+$0x0], $0xffff  }
0xc1: {  	v14 =	vld.idx.msk [tilespmem:v14+s15+$0x0], $0xffff;
	v10 =	vmul.f32 v10, v60;
	v4 =	vadd.f32 v5, v4;
	v7 =	vmul.f32 v7, v11  }
0xc2: {  	v5 =	vor.u32 $0xA, v3;
	v11 =	vld.idx.msk [tilespmem:v6+s14+$0x0], $0xffff  }
0xc3: {  	v6 =	vld.idx.msk [tilespmem:v6+s15+$0x0], $0xffff;
	v4 =	vadd.f32 v10, v4;
	v7 =	vmul.f32 v7, v59  }
0xc4: {  	v9 =	vmul.f32 v9, v12;
	v10 =	vor.u32 $0xB, v3;
	v12 =	vld.idx.msk [tilespmem:v8+s14+$0x0], $0xffff  }
0xc5: {  	v8 =	vld.idx.msk [tilespmem:v8+s15+$0x0], $0xffff;
	v4 =	vadd.f32 v7, v4  }
0xc6: {  	v7 =	vmul.f32 v9, v58;
	v9 =	vmul.f32 v14, v13;
	v13 =	vor.u32 $0xC, v3  }
0xc7: {  	v14 =	vld.idx.msk [tilespmem:v5+s14+$0x0], $0xffff  }
0xc8: {  	v5 =	vld.idx.msk [tilespmem:v5+s15+$0x0], $0xffff;
	v4 =	vadd.f32 v7, v4;
	v7 =	vmul.f32 v9, v57;
	v6 =	vmul.f32 v6, v11  }
0xc9: {  	v9 =	vor.u32 $0xD, v3;
	v11 =	vld.idx.msk [tilespmem:v10+s14+$0x0], $0xffff  }
0xca: {  	v10 =	vld.idx.msk [tilespmem:v10+s15+$0x0], $0xffff;
	v4 =	vadd.f32 v7, v4;
	v6 =	vmul.f32 v6, v56;
	v8 =	vmul.f32 v8, v12  }
0xcb: {  	v7 =	vor.u32 $0xE, v3;
	v12 =	vld.idx.msk [tilespmem:v13+s14+$0x0], $0xffff  }
0xcc: {  	v13 =	vld.idx.msk [tilespmem:v13+s15+$0x0], $0xffff;
	v4 =	vadd.f32 v6, v4;
	v8 =	vmul.f32 v8, v55  }
0xcd: {  	v6 =	vor.u32 $0xF, v3;
	v5 =	vmul.f32 v5, v14  }
0xce: {  	v14 =	vld.idx.msk [tilespmem:v9+s14+$0x0], $0xffff;
	v4 =	vadd.f32 v8, v4  }
0xcf: {  	v9 =	vld.idx.msk [tilespmem:v9+s15+$0x0], $0xffff;
	v5 =	vmul.f32 v5, v54;
	v8 =	vor.u32 $0x10, v3;
	v10 =	vmul.f32 v10, v11  }
0xd0: {  	v11 =	vld.idx.msk [tilespmem:v7+s14+$0x0], $0xffff  }
0xd1: {  	v7 =	vld.idx.msk [tilespmem:v7+s15+$0x0], $0xffff;
	v4 =	vadd.f32 v5, v4;
	v12 =	vmul.f32 v13, v12;
	v10 =	vmul.f32 v10, v53  }
0xd2: {  	v5 =	vor.u32 $0x11, v3;
	v13 =	vld.idx.msk [tilespmem:v6+s14+$0x0], $0xffff  }
0xd3: {  	v6 =	vld.idx.msk [tilespmem:v6+s15+$0x0], $0xffff;
	v4 =	vadd.f32 v10, v4;
	v10 =	vmul.f32 v12, v52  }
0xd4: {  	v9 =	vmul.f32 v9, v14;
	v12 =	vor.u32 $0x12, v3;
	v14 =	vld.idx.msk [tilespmem:v8+s14+$0x0], $0xffff  }
0xd5: {  	v8 =	vld.idx.msk [tilespmem:v8+s15+$0x0], $0xffff;
	v4 =	vadd.f32 v10, v4  }
0xd6: {  	v9 =	vmul.f32 v9, v51;
	v7 =	vmul.f32 v7, v11;
	v10 =	vor.u32 $0x13, v3  }
0xd7: {  	v11 =	vld.idx.msk [tilespmem:v5+s14+$0x0], $0xffff  }
0xd8: {  	v5 =	vld.idx.msk [tilespmem:v5+s15+$0x0], $0xffff;
	v4 =	vadd.f32 v9, v4;
	v7 =	vmul.f32 v7, v50;
	v6 =	vmul.f32 v6, v13  }
0xd9: {  	v9 =	vor.u32 $0x14, v3;
	v13 =	vld.idx.msk [tilespmem:v12+s14+$0x0], $0xffff  }
0xda: {  	v12 =	vld.idx.msk [tilespmem:v12+s15+$0x0], $0xffff;
	v4 =	vadd.f32 v7, v4;
	v6 =	vmul.f32 v6, v49;
	v8 =	vmul.f32 v8, v14  }
0xdb: {  	v7 =	vor.u32 $0x15, v3;
	v14 =	vld.idx.msk [tilespmem:v10+s14+$0x0], $0xffff  }
0xdc: {  	v10 =	vld.idx.msk [tilespmem:v10+s15+$0x0], $0xffff;
	v4 =	vadd.f32 v6, v4;
	v8 =	vmul.f32 v8, v48  }
0xdd: {  	v6 =	vor.u32 $0x16, v3;
	v5 =	vmul.f32 v5, v11  }
0xde: {  	v11 =	vld.idx.msk [tilespmem:v9+s14+$0x0], $0xffff;
	v4 =	vadd.f32 v8, v4  }
0xdf: {  	v9 =	vld.idx.msk [tilespmem:v9+s15+$0x0], $0xffff;
	v5 =	vmul.f32 v5, v47;
	v8 =	vor.u32 $0x17, v3;
	v12 =	vmul.f32 v12, v13  }
0xe0: {  	v13 =	vld.idx.msk [tilespmem:v7+s14+$0x0], $0xffff  }
0xe1: {  	v7 =	vld.idx.msk [tilespmem:v7+s15+$0x0], $0xffff;
	v4 =	vadd.f32 v5, v4;
	v10 =	vmul.f32 v10, v14;
	v12 =	vmul.f32 v12, v46  }
0xe2: {  	v5 =	vor.u32 $0x18, v3;
	v14 =	vld.idx.msk [tilespmem:v6+s14+$0x0], $0xffff  }
0xe3: {  	v6 =	vld.idx.msk [tilespmem:v6+s15+$0x0], $0xffff;
	v4 =	vadd.f32 v12, v4;
	v10 =	vmul.f32 v10, v45  }
0xe4: {  	v9 =	vmul.f32 v9, v11;
	v11 =	vor.u32 $0x19, v3;
	v12 =	vld.idx.msk [tilespmem:v8+s14+$0x0], $0xffff  }
0xe5: {  	v8 =	vld.idx.msk [tilespmem:v8+s15+$0x0], $0xffff;
	v4 =	vadd.f32 v10, v4  }
0xe6: {  	v9 =	vmul.f32 v9, v44;
	v7 =	vmul.f32 v7, v13;
	v10 =	vor.u32 $0x1A, v3  }
0xe7: {  	v13 =	vld.idx.msk [tilespmem:v5+s14+$0x0], $0xffff  }
0xe8: {  	v5 =	vld.idx.msk [tilespmem:v5+s15+$0x0], $0xffff;
	v4 =	vadd.f32 v9, v4;
	v7 =	vmul.f32 v7, v43;
	v6 =	vmul.f32 v6, v14  }
0xe9: {  	v9 =	vor.u32 $0x1B, v3;
	v14 =	vld.idx.msk [tilespmem:v11+s14+$0x0], $0xffff  }
0xea: {  	v11 =	vld.idx.msk [tilespmem:v11+s15+$0x0], $0xffff;
	v4 =	vadd.f32 v7, v4;
	v6 =	vmul.f32 v6, v42;
	v8 =	vmul.f32 v8, v12  }
0xeb: {  	v7 =	vor.u32 $0x1C, v3;
	v12 =	vld.idx.msk [tilespmem:v10+s14+$0x0], $0xffff  }
0xec: {  	v10 =	vld.idx.msk [tilespmem:v10+s15+$0x0], $0xffff;
	v4 =	vadd.f32 v6, v4;
	v8 =	vmul.f32 v8, v41  }
0xed: {  	v6 =	vor.u32 $0x1D, v3;
	v5 =	vmul.f32 v5, v13  }
0xee: {  	v13 =	vld.idx.msk [tilespmem:v9+s14+$0x0], $0xffff;
	v4 =	vadd.f32 v8, v4  }
0xef: {  	v9 =	vld.idx.msk [tilespmem:v9+s15+$0x0], $0xffff;
	v5 =	vmul.f32 v5, v40;
	v8 =	vor.u32 $0x1E, v3;
	v11 =	vmul.f32 v11, v14  }
0xf0: {  	v3 =	vor.u32 $0x1F, v3;
	v14 =	vld.idx.msk [tilespmem:v7+s14+$0x0], $0xffff  }
0xf1: {  	v4 =	vadd.f32 v5, v4;
	v5 =	vld.idx.msk [tilespmem:v7+s15+$0x0], $0xffff;
	v7 =	vmul.f32 v10, v12;
	v11 =	vmul.f32 v11, v39  }
0xf2: {  	v12 =	vld.idx.msk [tilespmem:v6+s14+$0x0], $0xffff  }
0xf3: {  	v6 =	vld.idx.msk [tilespmem:v6+s15+$0x0], $0xffff;
	v4 =	vadd.f32 v11, v4;
	v7 =	vmul.f32 v7, v38  }
0xf4: {  	v9 =	vmul.f32 v9, v13;
	v13 =	vld.idx.msk [tilespmem:v8+s14+$0x0], $0xffff  }
0xf5: {  	v4 =	vadd.f32 v7, v4;
	v7 =	vld.idx.msk [tilespmem:v8+s15+$0x0], $0xffff  }
0xf6: {  	v15 =	vld.idx.msk [tilespmem:v3+s14+$0x0], $0xffff;
	v8 =	vmul.f32 v9, v37;
	v5 =	vmul.f32 v5, v14  }
0xf7: {  	v3 =	vld.idx.msk [tilespmem:v3+s15+$0x0], $0xffff  }
0xf8: {  	v4 =	vadd.f32 v8, v4;
	v6 =	vmul.f32 v6, v12;
	v5 =	vmul.f32 v5, v36;
	_ =	sdelay $0x1  }
0xf9: {  	s2 =	simm.s32 $0x20;
	v4 =	vadd.f32 v5, v4;
	v5 =	vmul.f32 v6, v35;
	v6 =	vmul.f32 v7, v13  }
0xfa: {  	v7 =	vmov s2  }
0xfb: {  	v4 =	vadd.f32 v5, v4;
	v5 =	vmul.f32 v3, v15;
	v6 =	vmul.f32 v6, v34  }
0xfc: {  	s0 =	simm.s32 $0x8440;
	s2 =	simm.s32 $0x30;
	v3 =	vshll.u32 v7, $0x5  }
.LBB2_2:
0xfd: {  	p0 =	sne.s32 s2, $0x1F0;
	v3 =	vor.u32 v33, v3;
	v4 =	vadd.f32 v6, v4;
	v5 =	vmul.f32 v5, v2;
	_ =	sdelay $0x1  }
0xfe: {  	v6 =	vor.u32 $0x1, v3;
	v4 =	vadd.f32 v5, v4  }
0xff: {  	s0 =	sadd.s32 $0x10, s0  }
0x100: {  	v5 =	vor.u32 $0x2, v3;
	[tilespmem:s0+$0x0] =	vst v4  }
0x101: {  	v4 =	vld.idx.msk [tilespmem:v3+s15+$0x0], $0xffff  }
0x102: {  	v8 =	vor.u32 $0x3, v3;
	v7 =	vld.idx.msk [tilespmem:v3+s14+$0x0], $0xffff  }
0x103: {  	v9 =	vld.idx.msk [tilespmem:v6+s14+$0x0], $0xffff  }
0x104: {  	v10 =	vor.u32 $0x4, v3;
	v6 =	vld.idx.msk [tilespmem:v6+s15+$0x0], $0xffff  }
0x105: {  	v11 =	vld.idx.msk [tilespmem:v5+s14+$0x0], $0xffff  }
0x106: {  	v12 =	vor.u32 $0x5, v3;
	v5 =	vld.idx.msk [tilespmem:v5+s15+$0x0], $0xffff  }
0x107: {  	v13 =	vld.idx.msk [tilespmem:v8+s14+$0x0], $0xffff  }
0x108: {  	v4 =	vmul.f32 v4, v7;
	v7 =	vld.idx.msk [tilespmem:v8+s15+$0x0], $0xffff;
	v8 =	vor.u32 $0x6, v3  }
0x109: {  	v14 =	vld.idx.msk [tilespmem:v10+s14+$0x0], $0xffff  }
0x10a: {  	v4 =	vmul.f32 v4, v0;
	v6 =	vmul.f32 v6, v9;
	v9 =	vld.idx.msk [tilespmem:v10+s15+$0x0], $0xffff;
	v10 =	vor.u32 $0x7, v3  }
0x10b: {  	v16 =	vor.u32 $0x8, v3;
	v15 =	vld.idx.msk [tilespmem:v12+s14+$0x0], $0xffff  }
0x10c: {  	v4 =	vadd.f32 v4, v1;
	v6 =	vmul.f32 v6, v63;
	v5 =	vmul.f32 v5, v11;
	v11 =	vld.idx.msk [tilespmem:v12+s15+$0x0], $0xffff  }
0x10d: {  	v17 =	vor.u32 $0x9, v3;
	v12 =	vld.idx.msk [tilespmem:v8+s14+$0x0], $0xffff  }
0x10e: {  	v4 =	vadd.f32 v6, v4;
	v5 =	vmul.f32 v5, v62;
	v6 =	vmul.f32 v7, v13;
	v7 =	vld.idx.msk [tilespmem:v8+s15+$0x0], $0xffff  }
0x10f: {  	v13 =	vor.u32 $0xA, v3;
	v8 =	vld.idx.msk [tilespmem:v10+s14+$0x0], $0xffff  }
0x110: {  	v4 =	vadd.f32 v5, v4;
	v5 =	vmul.f32 v6, v61;
	v6 =	vmul.f32 v9, v14;
	v9 =	vld.idx.msk [tilespmem:v10+s15+$0x0], $0xffff  }
0x111: {  	v14 =	vor.u32 $0xB, v3;
	v10 =	vld.idx.msk [tilespmem:v16+s14+$0x0], $0xffff  }
0x112: {  	v4 =	vadd.f32 v5, v4;
	v5 =	vmul.f32 v6, v60;
	v6 =	vmul.f32 v11, v15;
	v11 =	vld.idx.msk [tilespmem:v16+s15+$0x0], $0xffff  }
0x113: {  	v16 =	vor.u32 $0xC, v3;
	v15 =	vld.idx.msk [tilespmem:v17+s14+$0x0], $0xffff  }
0x114: {  	v4 =	vadd.f32 v5, v4;
	v5 =	vmul.f32 v6, v59;
	v6 =	vmul.f32 v7, v12;
	v7 =	vld.idx.msk [tilespmem:v17+s15+$0x0], $0xffff  }
0x115: {  	v17 =	vor.u32 $0xD, v3;
	v12 =	vld.idx.msk [tilespmem:v13+s14+$0x0], $0xffff  }
0x116: {  	v4 =	vadd.f32 v5, v4;
	v5 =	vmul.f32 v6, v58;
	v6 =	vmul.f32 v9, v8;
	v8 =	vld.idx.msk [tilespmem:v13+s15+$0x0], $0xffff  }
0x117: {  	v13 =	vor.u32 $0xE, v3;
	v9 =	vld.idx.msk [tilespmem:v14+s14+$0x0], $0xffff  }
0x118: {  	v4 =	vadd.f32 v5, v4;
	v5 =	vmul.f32 v6, v57;
	v6 =	vmul.f32 v11, v10;
	v10 =	vld.idx.msk [tilespmem:v14+s15+$0x0], $0xffff  }
0x119: {  	v14 =	vor.u32 $0xF, v3;
	v11 =	vld.idx.msk [tilespmem:v16+s14+$0x0], $0xffff  }
0x11a: {  	v4 =	vadd.f32 v5, v4;
	v5 =	vmul.f32 v6, v56;
	v6 =	vmul.f32 v7, v15;
	v7 =	vld.idx.msk [tilespmem:v16+s15+$0x0], $0xffff  }
0x11b: {  	v16 =	vor.u32 $0x10, v3;
	v15 =	vld.idx.msk [tilespmem:v17+s14+$0x0], $0xffff  }
0x11c: {  	v4 =	vadd.f32 v5, v4;
	v5 =	vmul.f32 v6, v55;
	v6 =	vmul.f32 v8, v12;
	v8 =	vld.idx.msk [tilespmem:v17+s15+$0x0], $0xffff  }
0x11d: {  	v17 =	vor.u32 $0x11, v3;
	v12 =	vld.idx.msk [tilespmem:v13+s14+$0x0], $0xffff  }
0x11e: {  	v4 =	vadd.f32 v5, v4;
	v5 =	vmul.f32 v6, v54;
	v6 =	vmul.f32 v10, v9;
	v9 =	vld.idx.msk [tilespmem:v13+s15+$0x0], $0xffff  }
0x11f: {  	v13 =	vor.u32 $0x12, v3;
	v10 =	vld.idx.msk [tilespmem:v14+s14+$0x0], $0xffff  }
0x120: {  	v4 =	vadd.f32 v5, v4;
	v5 =	vmul.f32 v6, v53;
	v6 =	vmul.f32 v7, v11;
	v7 =	vld.idx.msk [tilespmem:v14+s15+$0x0], $0xffff  }
0x121: {  	v14 =	vor.u32 $0x13, v3;
	v11 =	vld.idx.msk [tilespmem:v16+s14+$0x0], $0xffff  }
0x122: {  	v4 =	vadd.f32 v5, v4;
	v5 =	vmul.f32 v6, v52;
	v6 =	vmul.f32 v8, v15;
	v8 =	vld.idx.msk [tilespmem:v16+s15+$0x0], $0xffff  }
0x123: {  	v16 =	vor.u32 $0x14, v3;
	v15 =	vld.idx.msk [tilespmem:v17+s14+$0x0], $0xffff  }
0x124: {  	v4 =	vadd.f32 v5, v4;
	v5 =	vmul.f32 v6, v51;
	v6 =	vmul.f32 v9, v12;
	v9 =	vld.idx.msk [tilespmem:v17+s15+$0x0], $0xffff  }
0x125: {  	v17 =	vor.u32 $0x15, v3;
	v12 =	vld.idx.msk [tilespmem:v13+s14+$0x0], $0xffff  }
0x126: {  	v4 =	vadd.f32 v5, v4;
	v5 =	vmul.f32 v6, v50;
	v6 =	vmul.f32 v7, v10;
	v7 =	vld.idx.msk [tilespmem:v13+s15+$0x0], $0xffff  }
0x127: {  	v13 =	vor.u32 $0x16, v3;
	v10 =	vld.idx.msk [tilespmem:v14+s14+$0x0], $0xffff  }
0x128: {  	v4 =	vadd.f32 v5, v4;
	v5 =	vmul.f32 v6, v49;
	v6 =	vmul.f32 v8, v11;
	v8 =	vld.idx.msk [tilespmem:v14+s15+$0x0], $0xffff  }
0x129: {  	v14 =	vor.u32 $0x17, v3;
	v11 =	vld.idx.msk [tilespmem:v16+s14+$0x0], $0xffff  }
0x12a: {  	v4 =	vadd.f32 v5, v4;
	v5 =	vmul.f32 v6, v48;
	v6 =	vmul.f32 v9, v15;
	v9 =	vld.idx.msk [tilespmem:v16+s15+$0x0], $0xffff  }
0x12b: {  	v16 =	vor.u32 $0x18, v3;
	v15 =	vld.idx.msk [tilespmem:v17+s14+$0x0], $0xffff  }
0x12c: {  	v4 =	vadd.f32 v5, v4;
	v5 =	vmul.f32 v6, v47;
	v6 =	vmul.f32 v7, v12;
	v7 =	vld.idx.msk [tilespmem:v17+s15+$0x0], $0xffff  }
0x12d: {  	v17 =	vor.u32 $0x19, v3;
	v12 =	vld.idx.msk [tilespmem:v13+s14+$0x0], $0xffff  }
0x12e: {  	v4 =	vadd.f32 v5, v4;
	v5 =	vmul.f32 v6, v46;
	v6 =	vmul.f32 v8, v10;
	v8 =	vld.idx.msk [tilespmem:v13+s15+$0x0], $0xffff  }
0x12f: {  	v13 =	vor.u32 $0x1A, v3;
	v10 =	vld.idx.msk [tilespmem:v14+s14+$0x0], $0xffff  }
0x130: {  	v4 =	vadd.f32 v5, v4;
	v5 =	vmul.f32 v6, v45;
	v6 =	vmul.f32 v9, v11;
	v9 =	vld.idx.msk [tilespmem:v14+s15+$0x0], $0xffff  }
0x131: {  	v14 =	vor.u32 $0x1B, v3;
	v11 =	vld.idx.msk [tilespmem:v16+s14+$0x0], $0xffff  }
0x132: {  	v4 =	vadd.f32 v5, v4;
	v5 =	vmul.f32 v6, v44;
	v6 =	vmul.f32 v7, v15;
	v7 =	vld.idx.msk [tilespmem:v16+s15+$0x0], $0xffff  }
0x133: {  	v16 =	vor.u32 $0x1C, v3;
	v15 =	vld.idx.msk [tilespmem:v17+s14+$0x0], $0xffff  }
0x134: {  	v4 =	vadd.f32 v5, v4;
	v5 =	vmul.f32 v6, v43;
	v6 =	vmul.f32 v8, v12;
	v8 =	vld.idx.msk [tilespmem:v17+s15+$0x0], $0xffff  }
0x135: {  	v17 =	vor.u32 $0x1D, v3;
	v12 =	vld.idx.msk [tilespmem:v13+s14+$0x0], $0xffff  }
0x136: {  	v4 =	vadd.f32 v5, v4;
	v5 =	vmul.f32 v6, v42;
	v6 =	vmul.f32 v9, v10;
	v9 =	vld.idx.msk [tilespmem:v13+s15+$0x0], $0xffff  }
0x137: {  	v13 =	vor.u32 $0x1E, v3;
	v10 =	vld.idx.msk [tilespmem:v14+s14+$0x0], $0xffff  }
0x138: {  	v4 =	vadd.f32 v5, v4;
	v5 =	vmul.f32 v6, v41;
	v6 =	vmul.f32 v7, v11;
	v7 =	vld.idx.msk [tilespmem:v14+s15+$0x0], $0xffff  }
0x139: {  	v3 =	vor.u32 $0x1F, v3;
	v11 =	vld.idx.msk [tilespmem:v16+s14+$0x0], $0xffff  }
0x13a: {  	v4 =	vadd.f32 v5, v4;
	v5 =	vmul.f32 v6, v40;
	v6 =	vmul.f32 v8, v15;
	v8 =	vld.idx.msk [tilespmem:v16+s15+$0x0], $0xffff  }
0x13b: {  	v14 =	vld.idx.msk [tilespmem:v17+s14+$0x0], $0xffff  }
0x13c: {  	v4 =	vadd.f32 v5, v4;
	v5 =	vmul.f32 v6, v39;
	v6 =	vmul.f32 v9, v12;
	v9 =	vld.idx.msk [tilespmem:v17+s15+$0x0], $0xffff  }
0x13d: {  	v12 =	vld.idx.msk [tilespmem:v13+s14+$0x0], $0xffff  }
0x13e: {  	v4 =	vadd.f32 v5, v4;
	v5 =	vmul.f32 v6, v38;
	v6 =	vmul.f32 v7, v10;
	v7 =	vld.idx.msk [tilespmem:v13+s15+$0x0], $0xffff  }
0x13f: {  	v10 =	vld.idx.msk [tilespmem:v3+s14+$0x0], $0xffff  }
0x140: {  	v4 =	vadd.f32 v5, v4;
	v5 =	vmul.f32 v6, v37;
	v6 =	vmul.f32 v8, v11;
	v3 =	vld.idx.msk [tilespmem:v3+s15+$0x0], $0xffff;
	_ =	sdelay $0x1  }
0x141: {  	v4 =	vadd.f32 v5, v4;
	v5 =	vmul.f32 v6, v36;
	v6 =	vmul.f32 v9, v14  }
.Ltmp0:
0x142: {  	(pc) =	sbr.rel @p0 .LBB2_2-.Ltmp0, $4  }
0x143: {  	v4 =	vadd.f32 v5, v4;
	v5 =	vmul.f32 v6, v35;
	v6 =	vmul.f32 v7, v12  }
0x144: {  	v7 =	vmov s2  }
0x145: {  	v4 =	vadd.f32 v5, v4;
	v6 =	vmul.f32 v6, v34;
	v5 =	vmul.f32 v3, v10  }
0x146: {  	s2 =	sadd.s32 $0x10, s2;
	v3 =	vshll.u32 v7, $0x5  }
0x147: {  	v3 =	vor.u32 v33, v3;
	v4 =	vadd.f32 v6, v4;
	v5 =	vmul.f32 v5, v2;
	_ =	sdelay $0x1  }
0x148: {  	v13 =	vor.u32 $0x1, v3;
	v4 =	vadd.f32 v5, v4  }
0x149: {  	s0 =	sadd.s32 $0x10, s0  }
0x14a: {  	v14 =	vor.u32 $0x2, v3;
	[tilespmem:s0+$0x0] =	vst v4  }
0x14b: {  	v4 =	vld.idx.msk [tilespmem:v3+s15+$0x0], $0xffff  }
0x14c: {  	v8 =	vor.u32 $0x3, v3;
	v7 =	vld.idx.msk [tilespmem:v3+s14+$0x0], $0xffff  }
0x14d: {  	v9 =	vld.idx.msk [tilespmem:v13+s14+$0x0], $0xffff  }
0x14e: {  	v10 =	vor.u32 $0x4, v3;
	v6 =	vld.idx.msk [tilespmem:v13+s15+$0x0], $0xffff  }
0x14f: {  	v11 =	vld.idx.msk [tilespmem:v14+s14+$0x0], $0xffff  }
0x150: {  	v12 =	vor.u32 $0x5, v3;
	v5 =	vld.idx.msk [tilespmem:v14+s15+$0x0], $0xffff  }
0x151: {  	v13 =	vld.idx.msk [tilespmem:v8+s14+$0x0], $0xffff;
	v4 =	vmul.f32 v4, v7  }
0x152: {  	v7 =	vld.idx.msk [tilespmem:v8+s15+$0x0], $0xffff;
	v8 =	vor.u32 $0x6, v3  }
0x153: {  	v14 =	vld.idx.msk [tilespmem:v10+s14+$0x0], $0xffff;
	v15 =	vmul.f32 v6, v9;
	v0 =	vmul.f32 v4, v0  }
0x154: {  	v6 =	vld.idx.msk [tilespmem:v10+s15+$0x0], $0xffff;
	v9 =	vor.u32 $0x7, v3  }
0x155: {  	v10 =	vld.idx.msk [tilespmem:v12+s14+$0x0], $0xffff;
	v0 =	vadd.f32 v0, v1;
	v1 =	vmul.f32 v15, v63;
	v63 =	vmul.f32 v5, v11  }
0x156: {  	v5 =	vor.u32 $0x8, v3;
	v11 =	vld.idx.msk [tilespmem:v12+s15+$0x0], $0xffff  }
0x157: {  	v12 =	vld.idx.msk [tilespmem:v8+s14+$0x0], $0xffff;
	v0 =	vadd.f32 v1, v0;
	v62 =	vmul.f32 v63, v62;
	v63 =	vmul.f32 v7, v13  }
0x158: {  	v8 =	vld.idx.msk [tilespmem:v8+s15+$0x0], $0xffff;
	v7 =	vor.u32 $0x9, v3  }
0x159: {  	v13 =	vld.idx.msk [tilespmem:v9+s14+$0x0], $0xffff;
	v0 =	vadd.f32 v62, v0;
	v61 =	vmul.f32 v63, v61;
	v62 =	vmul.f32 v6, v14  }
0x15a: {  	v9 =	vld.idx.msk [tilespmem:v9+s15+$0x0], $0xffff;
	v6 =	vor.u32 $0xA, v3  }
0x15b: {  	v14 =	vld.idx.msk [tilespmem:v5+s14+$0x0], $0xffff;
	v15 =	vmul.f32 v11, v10;
	v0 =	vadd.f32 v61, v0;
	v63 =	vmul.f32 v62, v60  }
0x15c: {  	v10 =	vor.u32 $0xB, v3;
	v5 =	vld.idx.msk [tilespmem:v5+s15+$0x0], $0xffff  }
0x15d: {  	v61 =	vmul.f32 v8, v12;
	v11 =	vld.idx.msk [tilespmem:v7+s14+$0x0], $0xffff;
	v60 =	vmul.f32 v15, v59;
	v0 =	vadd.f32 v63, v0  }
0x15e: {  	v8 =	vor.u32 $0xC, v3;
	v7 =	vld.idx.msk [tilespmem:v7+s15+$0x0], $0xffff  }
0x15f: {  	v62 =	vmul.f32 v61, v58;
	v63 =	vmul.f32 v9, v13;
	v12 =	vld.idx.msk [tilespmem:v6+s14+$0x0], $0xffff;
	v0 =	vadd.f32 v60, v0  }
0x160: {  	v58 =	vor.u32 $0xD, v3;
	v6 =	vld.idx.msk [tilespmem:v6+s15+$0x0], $0xffff  }
0x161: {  	v13 =	vld.idx.msk [tilespmem:v10+s14+$0x0], $0xffff;
	v59 =	vmul.f32 v63, v57;
	v60 =	vmul.f32 v5, v14;
	v0 =	vadd.f32 v62, v0  }
0x162: {  	v5 =	vor.u32 $0xE, v3;
	v10 =	vld.idx.msk [tilespmem:v10+s15+$0x0], $0xffff  }
0x163: {  	v14 =	vld.idx.msk [tilespmem:v8+s14+$0x0], $0xffff;
	v61 =	vmul.f32 v60, v56;
	v62 =	vmul.f32 v7, v11;
	v0 =	vadd.f32 v59, v0  }
0x164: {  	v8 =	vld.idx.msk [tilespmem:v8+s15+$0x0], $0xffff;
	v7 =	vor.u32 $0xF, v3  }
0x165: {  	v11 =	vld.idx.msk [tilespmem:v58+s14+$0x0], $0xffff;
	v63 =	vmul.f32 v62, v55;
	v55 =	vmul.f32 v6, v12;
	v0 =	vadd.f32 v61, v0  }
0x166: {  	v56 =	vor.u32 $0x10, v3;
	v9 =	vld.idx.msk [tilespmem:v58+s15+$0x0], $0xffff  }
0x167: {  	v57 =	vld.idx.msk [tilespmem:v5+s14+$0x0], $0xffff;
	v59 =	vmul.f32 v10, v13;
	v58 =	vmul.f32 v55, v54;
	v0 =	vadd.f32 v63, v0  }
0x168: {  	v60 =	vor.u32 $0x11, v3;
	v5 =	vld.idx.msk [tilespmem:v5+s15+$0x0], $0xffff  }
0x169: {  	v62 =	vmul.f32 v8, v14;
	v13 =	vld.idx.msk [tilespmem:v7+s14+$0x0], $0xffff;
	v61 =	vmul.f32 v59, v53;
	v0 =	vadd.f32 v58, v0  }
0x16a: {  	v7 =	vld.idx.msk [tilespmem:v7+s15+$0x0], $0xffff;
	v63 =	vor.u32 $0x12, v3  }
0x16b: {  	v14 =	vld.idx.msk [tilespmem:v56+s14+$0x0], $0xffff;
	v52 =	vmul.f32 v62, v52;
	v53 =	vmul.f32 v9, v11;
	v0 =	vadd.f32 v61, v0  }
0x16c: {  	v54 =	vor.u32 $0x13, v3;
	v6 =	vld.idx.msk [tilespmem:v56+s15+$0x0], $0xffff  }
0x16d: {  	v55 =	vld.idx.msk [tilespmem:v60+s14+$0x0], $0xffff;
	v56 =	vmul.f32 v53, v51;
	v57 =	vmul.f32 v5, v57;
	v0 =	vadd.f32 v52, v0  }
0x16e: {  	v10 =	vld.idx.msk [tilespmem:v60+s15+$0x0], $0xffff;
	v58 =	vor.u32 $0x14, v3  }
0x16f: {  	v60 =	vmul.f32 v57, v50;
	v61 =	vmul.f32 v7, v13;
	v59 =	vld.idx.msk [tilespmem:v63+s14+$0x0], $0xffff;
	v0 =	vadd.f32 v56, v0  }
0x170: {  	v62 =	vor.u32 $0x15, v3;
	v8 =	vld.idx.msk [tilespmem:v63+s15+$0x0], $0xffff  }
0x171: {  	v9 =	vld.idx.msk [tilespmem:v54+s15+$0x0], $0xffff;
	v51 =	vmul.f32 v6, v14;
	v50 =	vmul.f32 v61, v49;
	v0 =	vadd.f32 v60, v0  }
0x172: {  	v63 =	vld.idx.msk [tilespmem:v54+s14+$0x0], $0xffff;
	v52 =	vor.u32 $0x16, v3  }
0x173: {  	v55 =	vmul.f32 v10, v55;
	v54 =	vmul.f32 v51, v48;
	v53 =	vld.idx.msk [tilespmem:v58+s14+$0x0], $0xffff;
	v0 =	vadd.f32 v50, v0  }
0x174: {  	v5 =	vld.idx.msk [tilespmem:v58+s15+$0x0], $0xffff;
	v56 =	vor.u32 $0x17, v3  }
0x175: {  	v57 =	vld.idx.msk [tilespmem:v62+s14+$0x0], $0xffff;
	v58 =	vmul.f32 v55, v47;
	v59 =	vmul.f32 v8, v59;
	v0 =	vadd.f32 v54, v0  }
0x176: {  	v7 =	vld.idx.msk [tilespmem:v62+s15+$0x0], $0xffff;
	v60 =	vor.u32 $0x18, v3  }
0x177: {  	v63 =	vmul.f32 v9, v63;
	v61 =	vld.idx.msk [tilespmem:v52+s14+$0x0], $0xffff;
	v62 =	vmul.f32 v59, v46;
	v0 =	vadd.f32 v58, v0  }
0x178: {  	v6 =	vld.idx.msk [tilespmem:v52+s15+$0x0], $0xffff;
	v46 =	vor.u32 $0x19, v3  }
0x179: {  	v48 =	vmul.f32 v63, v45;
	v49 =	vmul.f32 v5, v53;
	v47 =	vld.idx.msk [tilespmem:v56+s14+$0x0], $0xffff;
	v0 =	vadd.f32 v62, v0  }
0x17a: {  	v50 =	vor.u32 $0x1A, v3;
	v10 =	vld.idx.msk [tilespmem:v56+s15+$0x0], $0xffff  }
0x17b: {  	v53 =	vmul.f32 v7, v57;
	v52 =	vmul.f32 v49, v44;
	v51 =	vld.idx.msk [tilespmem:v60+s14+$0x0], $0xffff;
	v0 =	vadd.f32 v48, v0  }
0x17c: {  	v54 =	vor.u32 $0x1B, v3;
	v8 =	vld.idx.msk [tilespmem:v60+s15+$0x0], $0xffff  }
0x17d: {  	v56 =	vmul.f32 v53, v43;
	v57 =	vmul.f32 v6, v61;
	v55 =	vld.idx.msk [tilespmem:v46+s14+$0x0], $0xffff;
	v0 =	vadd.f32 v52, v0  }
0x17e: {  	v58 =	vor.u32 $0x1C, v3;
	v9 =	vld.idx.msk [tilespmem:v46+s15+$0x0], $0xffff  }
0x17f: {  	v59 =	vld.idx.msk [tilespmem:v50+s14+$0x0], $0xffff;
	v60 =	vmul.f32 v57, v42;
	v61 =	vmul.f32 v10, v47;
	v0 =	vadd.f32 v56, v0  }
0x180: {  	v5 =	vld.idx.msk [tilespmem:v50+s15+$0x0], $0xffff;
	v62 =	vor.u32 $0x1D, v3  }
0x181: {  	v63 =	vld.idx.msk [tilespmem:v54+s14+$0x0], $0xffff;
	v41 =	vmul.f32 v61, v41;
	v42 =	vmul.f32 v8, v51;
	v0 =	vadd.f32 v60, v0  }
0x182: {  	v43 =	vor.u32 $0x1E, v3;
	v7 =	vld.idx.msk [tilespmem:v54+s15+$0x0], $0xffff  }
0x183: {  	v44 =	vld.idx.msk [tilespmem:v58+s14+$0x0], $0xffff;
	v45 =	vmul.f32 v42, v40;
	v46 =	vmul.f32 v9, v55;
	v0 =	vadd.f32 v41, v0  }
0x184: {  	v3 =	vor.u32 $0x1F, v3;
	v6 =	vld.idx.msk [tilespmem:v58+s15+$0x0], $0xffff  }
0x185: {  	v49 =	vmul.f32 v5, v59;
	v47 =	vld.idx.msk [tilespmem:v62+s14+$0x0], $0xffff;
	v48 =	vmul.f32 v46, v39;
	v0 =	vadd.f32 v45, v0  }
0x186: {  	v50 =	vld.idx.msk [tilespmem:v62+s15+$0x0], $0xffff  }
0x187: {  	v54 =	vld.idx.msk [tilespmem:v43+s15+$0x0], $0xffff;
	v52 =	vmul.f32 v49, v38;
	v53 =	vmul.f32 v7, v63;
	v0 =	vadd.f32 v48, v0  }
0x188: {  	v51 =	vld.idx.msk [tilespmem:v43+s14+$0x0], $0xffff  }
0x189: {  	v55 =	vld.idx.msk [tilespmem:v3+s14+$0x0], $0xffff;
	v56 =	vmul.f32 v53, v37;
	v57 =	vmul.f32 v6, v44;
	v0 =	vadd.f32 v52, v0  }
0x18a: {  	v3 =	vld.idx.msk [tilespmem:v3+s15+$0x0], $0xffff  }
0x18b: {  	v58 =	vmul.f32 v57, v36;
	v59 =	vmul.f32 v50, v47;
	v0 =	vadd.f32 v56, v0;
	_ =	sdelay $0x1  }
0x18c: {  	v61 =	vmul.f32 v54, v51;
	v60 =	vmul.f32 v59, v35;
	v0 =	vadd.f32 v58, v0;
	_ =	sdelay $0x1  }
0x18d: {  	v62 =	vmul.f32 v61, v34;
	v3 =	vmul.f32 v3, v55;
	v0 =	vadd.f32 v60, v0;
	_ =	sdelay $0x1  }
0x18e: {  	v63 =	vmul.f32 v3, v2;
	v0 =	vadd.f32 v62, v0;
	_ =	sdelay $0x1  }
0x18f: {  	s31 =	sadd.s32 $0x1, s31;
	v0 =	vadd.f32 v63, v0  }
0x190: {  	p0 =	sne.s32 s31, s9;
	s0 =	sadd.s32 $0x10, s0  }
.Ltmp1:
0x191: {  	[tilespmem:s0+$0x0] =	vst v0;
	(pc) =	sbr.rel @p0 .LBB2_1-.Ltmp1, $4  }
0x192: {  	[hbm4b:s8+s3] =	stream.linear.scatter [tilespmem:s30], [sflag:$0x3], $0x200, $0x38;
	[tilespmem:$0x8640] =	vst v63  }
0x193: {  	_ =	swait.ge [sflag:s10], $0x200  }
0x194: {  	[sflag:s10] =	ssyncset.done $0x0  }
0x195: {  	[sflag:s10] =	ssyncadd.s32 $0xFFFFFE00  }
0x196: {  	_ =	sfence.sel $0x180000  }
0x197: {  	[bflag:$0x0] =	sbarrier.arrive $0xFFFF  }
0x198: {  	_ =	strace $0x90000047  }
0x199: {  	s0 =	stileid.u32;
	[bflag:$0x2] =	sbarrier.arrive $0xFFFF  }
0x19a: {  	p0 =	sne.s32 s0, $0x0;
	s0 =	rddreg [dreg:$0x5]  }
0x19b: {  	s0 =	sadd.s32 @!p0 $0x100000, s0  }
0x19c: {  	[sflag:s0] =	ssyncadd.tile.s32 @!p0 $0x1;
	_ =	shalt  }
.Lfunc_end2:
_tile_overlayer_lowered:
.L_overlay_start_2:
0x19d: {  	(tag) =	ssettag $0x2  }
0x19e: {  	s0 =	rddreg [dreg:$0x0];
	s2 =	stileid.u32  }
0x19f: {  	s1 =	rddreg [dreg:$0x1];
	p0 =	sne.s32 s2, $0x0  }
0x1a0: {  	s3 =	rddreg [dreg:$0x2];
	[bflag:$0x3] =	sbarrier.arrive $0xFFFF;
	s2 =	simm.s32 @!p0 $0x1C03  }
0x1a1: {  	[timem:s3], [sflag:s2] =	dma.local @!p0 [hbm:s0], s1  }
0x1a2: {  	s0 =	simm.s32 @!p0 $0x3  }
0x1a3: {  	_ =	swait.ge @!p0 [sflag:s0], s1  }
0x1a4: {  	s1 =	ssub.s32 @!p0 $0x0, s1;
	[sflag:s0] =	ssyncset.done @!p0 $0x0  }
0x1a5: {  	[sflag:s0] =	ssyncadd.s32 @!p0 s1  }
0x1a6: {  	[bflag:$0x3] =	sbarrier.arrive $0xFFFF  }
0x1a7: {  	_ =	shalt  }

</sc_bundles>
